<compile_context>
chip_gen: v7x
topology: tpu7x:2x2x1
jax: 0.10.2.dev20260603
libtpu: 0.0.44.dev20260713+nightly
codegen_flags: <defaults>
</compile_context>

<pallas_src>
import functools

import jax
import jax.numpy as jnp
from jax import lax
from jax.experimental import pallas as pl
from jax.experimental.pallas import tpu as pltpu
from jax.experimental.pallas import tpu_sc as plsc

N_NODES = 10000
N_EDGES = 320000
D_IN = 128
D_HID = 128
D_OUT = 64

NC = 2
NS = 16
NW = NC * NS
NP = 10240
RPT = NP // NS
EPW = N_EDGES // NW
K = 80
ITERS = EPW // K

_mesh = plsc.VectorSubcoreMesh(core_axis_name="c", subcore_axis_name="s")


@functools.partial(
    pl.kernel,
    out_type=jax.ShapeDtypeStruct((NC * NP,), jnp.float32),
    mesh=_mesh,
    scratch_types=[
        pltpu.VMEM((K,), jnp.int32),
        pltpu.VMEM((K,), jnp.float32),
        pltpu.VMEM((RPT,), jnp.float32),
        pltpu.VMEM_SHARED((NP,), jnp.float32),
        pltpu.SemaphoreType.DMA,
    ],
)
def _deg(dst_hbm, out_hbm, dst_v, ones_v, zero_v, acc_sh, sem):
    c = lax.axis_index("c")
    s = lax.axis_index("s")
    wid = s * NC + c
    for j in range(K // 16):
        ones_v[pl.ds(j * 16, 16)] = jnp.ones((16,), jnp.float32)
    for j in range(RPT // 16):
        zero_v[pl.ds(j * 16, 16)] = jnp.zeros((16,), jnp.float32)
    pltpu.sync_copy(zero_v, acc_sh.at[pl.ds(s * RPT, RPT)])
    plsc.subcore_barrier()

    def body(i, carry):
        off = wid * EPW + i * K
        pltpu.sync_copy(dst_hbm.at[pl.ds(off, K)], dst_v)
        pltpu.sync_copy(ones_v, acc_sh.at[dst_v], add=True)
        return carry

    lax.fori_loop(0, ITERS, body, 0)
    plsc.subcore_barrier()
    pltpu.sync_copy(acc_sh.at[pl.ds(s * RPT, RPT)],
                    out_hbm.at[pl.ds(c * NP + s * RPT, RPT)])


def _make_agg(d):
    params = (None if d % 128 == 0
              else pltpu.CompilerParams(use_tc_tiling_on_sc=False))

    @functools.partial(
        pl.kernel,
        out_type=jax.ShapeDtypeStruct((NC * NP, d), jnp.float32),
        mesh=_mesh,
        compiler_params=params,
        scratch_types=[
            pltpu.VMEM((K,), jnp.int32),
            pltpu.VMEM((K,), jnp.int32),
            pltpu.VMEM((K, d), jnp.float32),
            pltpu.VMEM_SHARED((NP, d), jnp.float32),
            pltpu.SemaphoreType.DMA,
        ],
    )
    def agg(zeros_hbm, hs_hbm, src_hbm, dst_hbm, out_hbm,
            src_v, dst_v, rows_v, acc_sh, sem):
        c = lax.axis_index("c")
        s = lax.axis_index("s")
        wid = s * NC + c
        pltpu.sync_copy(zeros_hbm, acc_sh.at[pl.ds(s * RPT, RPT)])
        plsc.subcore_barrier()

        def body(i, carry):
            off = wid * EPW + i * K
            pltpu.sync_copy(src_hbm.at[pl.ds(off, K)], src_v)
            pltpu.sync_copy(dst_hbm.at[pl.ds(off, K)], dst_v)
            pltpu.async_copy(hs_hbm.at[src_v], rows_v, sem).wait()
            pltpu.sync_copy(rows_v, acc_sh.at[dst_v], add=True)
            return carry

        lax.fori_loop(0, ITERS, body, 0)
        plsc.subcore_barrier()
        pltpu.sync_copy(acc_sh.at[pl.ds(s * RPT, RPT)],
                        out_hbm.at[pl.ds(c * NP + s * RPT, RPT)])

    return agg


_agg_hid = _make_agg(D_HID)
_agg_out = _make_agg(D_OUT)


BM = 1000
GRID = N_NODES // BM


def _mm1_body(deg_ref, x_ref, w_ref, hs_ref, dinv_ref):
    deg = deg_ref[...]
    d = deg[:, 0:1] + deg[:, 1:2] + 1.0
    dinv = lax.rsqrt(d)
    h = jnp.dot(x_ref[...], w_ref[...], preferred_element_type=jnp.float32)
    hs_ref[...] = h * dinv
    dinv_ref[...] = dinv


def _mm1(degT, x, w):
    return pl.pallas_call(
        _mm1_body,
        grid=(GRID,),
        in_specs=[
            pl.BlockSpec((BM, NC), lambda i: (i, 0)),
            pl.BlockSpec((BM, D_IN), lambda i: (i, 0)),
            pl.BlockSpec((D_IN, D_HID), lambda i: (0, 0)),
        ],
        out_specs=[
            pl.BlockSpec((BM, D_HID), lambda i: (i, 0)),
            pl.BlockSpec((BM, 1), lambda i: (i, 0)),
        ],
        out_shape=[
            jax.ShapeDtypeStruct((N_NODES, D_HID), jnp.float32),
            jax.ShapeDtypeStruct((N_NODES, 1), jnp.float32),
        ],
    )(degT, x, w)


def _combine_body(dinv_ref, p0_ref, p1_ref, hs1_ref, b1_ref, w2_ref, hs2_ref):
    dinv = dinv_ref[...]
    h = dinv * (p0_ref[...] + p1_ref[...] + hs1_ref[...]) + b1_ref[...]
    h = jnp.maximum(h, 0.0)
    hs2_ref[...] = jnp.dot(
        h, w2_ref[...], preferred_element_type=jnp.float32) * dinv


def _combine(dinv, p0, p1, hs1, b1, w2):
    return pl.pallas_call(
        _combine_body,
        grid=(GRID,),
        in_specs=[
            pl.BlockSpec((BM, 1), lambda i: (i, 0)),
            pl.BlockSpec((BM, D_HID), lambda i: (i, 0)),
            pl.BlockSpec((BM, D_HID), lambda i: (i, 0)),
            pl.BlockSpec((BM, D_HID), lambda i: (i, 0)),
            pl.BlockSpec((1, D_HID), lambda i: (0, 0)),
            pl.BlockSpec((D_HID, D_OUT), lambda i: (0, 0)),
        ],
        out_specs=pl.BlockSpec((BM, D_OUT), lambda i: (i, 0)),
        out_shape=jax.ShapeDtypeStruct((N_NODES, D_OUT), jnp.float32),
    )(dinv, p0, p1, hs1, b1, w2)


def _final_body(dinv_ref, q0_ref, q1_ref, hs2_ref, b2_ref, out_ref):
    out_ref[...] = dinv_ref[...] * (
        q0_ref[...] + q1_ref[...] + hs2_ref[...]) + b2_ref[...]


def _final(dinv, q0, q1, hs2, b2):
    return pl.pallas_call(
        _final_body,
        grid=(GRID,),
        in_specs=[
            pl.BlockSpec((BM, 1), lambda i: (i, 0)),
            pl.BlockSpec((BM, D_OUT), lambda i: (i, 0)),
            pl.BlockSpec((BM, D_OUT), lambda i: (i, 0)),
            pl.BlockSpec((BM, D_OUT), lambda i: (i, 0)),
            pl.BlockSpec((1, D_OUT), lambda i: (0, 0)),
        ],
        out_specs=pl.BlockSpec((BM, D_OUT), lambda i: (i, 0)),
        out_shape=jax.ShapeDtypeStruct((N_NODES, D_OUT), jnp.float32),
    )(dinv, q0, q1, hs2, b2)


def kernel(x, edge_index, W1, b1, W2, b2):
    src = edge_index[0]
    dst = edge_index[1]
    deg_parts = _deg(dst)
    degT = deg_parts.reshape(NC, NP)[:, :N_NODES].T
    hs1, dinv = _mm1(degT, x, W1)
    z128 = jnp.zeros((RPT, D_HID), jnp.float32)
    z64 = jnp.zeros((RPT, D_OUT), jnp.float32)
    agg1 = _agg_hid(z128, hs1, src, dst).reshape(NC, NP, D_HID)
    hs2 = _combine(dinv, agg1[0, :N_NODES], agg1[1, :N_NODES],
                   hs1, b1.reshape(1, D_HID), W2)
    agg2 = _agg_out(z64, hs2, src, dst).reshape(NC, NP, D_OUT)
    out = _final(dinv, agg2[0, :N_NODES], agg2[1, :N_NODES],
                 hs2, b2.reshape(1, D_OUT))
    return (out, edge_index)

# --- scband reference (transcript-rebuilt; emitter-appended) ---
"""Pipeline reference for scband-gcnconvolution-81140522156078 (READ-ONLY COPY).

The authoritative reference and input builder live on the scoring server;
editing this copy changes nothing except your own understanding.
"""

import jax, jax.numpy as jnp
import numpy as np

N_NODES = 10000
N_EDGES = 320000
D_IN = 128
D_HID = 128
D_OUT = 64


def setup_inputs(seed: int = 0) -> dict:
    key = jax.random.key(seed)
    k1, k2, k3, k4 = jax.random.split(key, 4)
    x = jax.random.normal(k1, (N_NODES, D_IN), dtype=jnp.float32)
    edge_index = jax.random.randint(k2, (2, N_EDGES), 0, N_NODES, dtype=jnp.int32)
    # GCNConv params: linear weight (glorot-ish) + bias, per layer
    W1 = jax.random.normal(k3, (D_IN, D_HID), dtype=jnp.float32) * (1.0 / np.sqrt(D_IN))
    b1 = jnp.zeros((D_HID,), dtype=jnp.float32)
    W2 = jax.random.normal(k4, (D_HID, D_OUT), dtype=jnp.float32) * (1.0 / np.sqrt(D_HID))
    b2 = jnp.zeros((D_OUT,), dtype=jnp.float32)
    return {"x": x, "edge_index": edge_index, "W1": W1, "b1": b1, "W2": W2, "b2": b2}


def _gcn_layer(x, W, b, src, dst, n):
    # GCNConv: h = x W; symmetric norm with self-loops; out[dst] += norm * h[src]; + bias
    h = x @ W
    ones = jnp.ones(dst.shape[0], dtype=h.dtype)
    deg = jax.ops.segment_sum(ones, dst, num_segments=n)
    dinv = jnp.where(deg > 0, jax.lax.rsqrt(jnp.maximum(deg, 1e-12)), 0.0)
    norm = dinv[src] * dinv[dst]
    msg = h[src] * norm[:, None]
    out = jax.ops.segment_sum(msg, dst, num_segments=n)
    return out + b


def reference(x, edge_index, W1, b1, W2, b2):
    n = x.shape[0]
    loops = jnp.arange(n, dtype=edge_index.dtype)
    src = jnp.concatenate([edge_index[0], loops])
    dst = jnp.concatenate([edge_index[1], loops])
    h = jax.nn.relu(_gcn_layer(x, W1, b1, src, dst, n))
    # F.dropout(training=self.training): module in eval mode -> identity
    out = _gcn_layer(h, W2, b2, src, dst, n)
    return (out, edge_index)

if __name__ == "__main__":
    import jax
    _d = setup_inputs()
    print(jax.jit(kernel)(*tuple(_d.values())))

</pallas_src>

<mosaic_0001>
#map = affine_map<(d0, d1) -> (0, 0)>
#map1 = affine_map<(d0, d1) -> (0)>
module attributes {stable_mosaic.version = 14 : i64} {
  func.func @agg(%arg0: i32, %arg1: i32, %arg2: memref<640x128xf32, #tpu.memory_space<hbm>>, %arg3: memref<10000x128xf32, #tpu.memory_space<hbm>>, %arg4: memref<320000xi32, #tpu.memory_space<hbm>>, %arg5: memref<320000xi32, #tpu.memory_space<hbm>>, %arg6: memref<20480x128xf32, #tpu.memory_space<hbm>>, %arg7: memref<80xi32, #tpu.memory_space<vmem>>, %arg8: memref<80xi32, #tpu.memory_space<vmem>>, %arg9: memref<80x128xf32, #tpu.memory_space<vmem>>, %arg10: memref<10240x128xf32, #tpu.memory_space<vmem_shared>>, %arg11: memref<!tpu.dma_semaphore, #tpu.memory_space<semaphore_mem>>) attributes {dimension_semantics = [#tpu.dimension_semantics<core_parallel>, #tpu.dimension_semantics<subcore_parallel>], iteration_bounds = array<i64: 2, 16>, scalar_prefetch = 0 : i64, scratch_operands = 5 : i64, tpu.core_type = #tpu.core_type<sc_vector_subcore>, window_params = [{transform_indices = #map}, {transform_indices = #map}, {transform_indices = #map1}, {transform_indices = #map1}, {transform_indices = #map}]} {
    %mul3A = arith.constant 2 : i32
    %mul3A_0 = arith.muli %arg1, %mul3A : i32
    %add3A = arith.addi %mul3A_0, %arg0 : i32
    %mul3A_1 = arith.constant 640 : i32
    %mul3A_2 = arith.muli %arg1, %mul3A_1 : i32
    "tpu.region"() ({
      %run_scoped3A = tpu.sem_alloc : memref<!tpu.dma_semaphore, #tpu.memory_space<semaphore_mem>>
      %dma_start3A = arith.constant 0 : i32
      %dma_start3A_16 = tpu.memref_slice %arg10[%mul3A_2, %dma_start3A] : memref<10240x128xf32, #tpu.memory_space<vmem_shared>> -> memref<640x128xf32, #tpu.memory_space<vmem_shared>>
      tpu.enqueue_dma source(%arg2 : memref<640x128xf32, #tpu.memory_space<hbm>>) target(%dma_start3A_16 : memref<640x128xf32, #tpu.memory_space<vmem_shared>>) target_semaphore(%run_scoped3A : memref<!tpu.dma_semaphore, #tpu.memory_space<semaphore_mem>>)
      %dma_wait3A = arith.constant 0 : i32
      %dma_wait3A_17 = tpu.memref_slice %arg10[%mul3A_2, %dma_wait3A] : memref<10240x128xf32, #tpu.memory_space<vmem_shared>> -> memref<640x128xf32, #tpu.memory_space<vmem_shared>>
      tpu.wait_dma2 semaphore(%run_scoped3A : memref<!tpu.dma_semaphore, #tpu.memory_space<semaphore_mem>>) src(%arg2 : memref<640x128xf32, #tpu.memory_space<hbm>>) dst(%dma_wait3A_17 : memref<640x128xf32, #tpu.memory_space<vmem_shared>>)
      tpu.yield
    }) : () -> ()
    %barrier3A = arith.constant 0 : index
    tpu.barrier barrier_id(%barrier3A)
    %scan3A = arith.constant 0 : i32
    %scan3A_3 = arith.constant 0 : i32
    %scan3A_4 = arith.constant 125 : i32
    %scan3A_5 = arith.addi %scan3A_3, %scan3A_4 : i32
    %scan3A_6 = arith.constant 1 : i32
    scf.for %scan3A_16 = %scan3A_3 to %scan3A_5 step %scan3A_6  : i32 {
      %mul3A_17 = arith.constant 10000 : i32
      %mul3A_18 = arith.muli %add3A, %mul3A_17 : i32
      %mul3A_19 = arith.constant 80 : i32
      %mul3A_20 = arith.muli %scan3A_16, %mul3A_19 : i32
      %add3A_21 = arith.addi %mul3A_18, %mul3A_20 : i32
      "tpu.region"() ({
        %run_scoped3A = tpu.sem_alloc : memref<!tpu.dma_semaphore, #tpu.memory_space<semaphore_mem>>
        %dma_start3A_26 = tpu.memref_slice %arg4[%add3A_21] : memref<320000xi32, #tpu.memory_space<hbm>> -> memref<80xi32, #tpu.memory_space<hbm>>
        %dma_start3A_27 = tpu.memref_slice %arg4[%add3A_21] : memref<320000xi32, #tpu.memory_space<hbm>> -> memref<80xi32, #tpu.memory_space<hbm>>
        tpu.enqueue_dma source(%dma_start3A_27 : memref<80xi32, #tpu.memory_space<hbm>>) target(%arg7 : memref<80xi32, #tpu.memory_space<vmem>>) target_semaphore(%run_scoped3A : memref<!tpu.dma_semaphore, #tpu.memory_space<semaphore_mem>>)
        %dma_wait3A_28 = tpu.memref_slice %arg4[%add3A_21] : memref<320000xi32, #tpu.memory_space<hbm>> -> memref<80xi32, #tpu.memory_space<hbm>>
        %dma_wait3A_29 = tpu.memref_slice %arg4[%add3A_21] : memref<320000xi32, #tpu.memory_space<hbm>> -> memref<80xi32, #tpu.memory_space<hbm>>
        tpu.wait_dma2 semaphore(%run_scoped3A : memref<!tpu.dma_semaphore, #tpu.memory_space<semaphore_mem>>) src(%dma_wait3A_29 : memref<80xi32, #tpu.memory_space<hbm>>) dst(%arg7 : memref<80xi32, #tpu.memory_space<vmem>>)
        tpu.yield
      }) : () -> ()
      "tpu.region"() ({
        %run_scoped3A = tpu.sem_alloc : memref<!tpu.dma_semaphore, #tpu.memory_space<semaphore_mem>>
        %dma_start3A_26 = tpu.memref_slice %arg5[%add3A_21] : memref<320000xi32, #tpu.memory_space<hbm>> -> memref<80xi32, #tpu.memory_space<hbm>>
        %dma_start3A_27 = tpu.memref_slice %arg5[%add3A_21] : memref<320000xi32, #tpu.memory_space<hbm>> -> memref<80xi32, #tpu.memory_space<hbm>>
        tpu.enqueue_dma source(%dma_start3A_27 : memref<80xi32, #tpu.memory_space<hbm>>) target(%arg8 : memref<80xi32, #tpu.memory_space<vmem>>) target_semaphore(%run_scoped3A : memref<!tpu.dma_semaphore, #tpu.memory_space<semaphore_mem>>)
        %dma_wait3A_28 = tpu.memref_slice %arg5[%add3A_21] : memref<320000xi32, #tpu.memory_space<hbm>> -> memref<80xi32, #tpu.memory_space<hbm>>
        %dma_wait3A_29 = tpu.memref_slice %arg5[%add3A_21] : memref<320000xi32, #tpu.memory_space<hbm>> -> memref<80xi32, #tpu.memory_space<hbm>>
        tpu.wait_dma2 semaphore(%run_scoped3A : memref<!tpu.dma_semaphore, #tpu.memory_space<semaphore_mem>>) src(%dma_wait3A_29 : memref<80xi32, #tpu.memory_space<hbm>>) dst(%arg8 : memref<80xi32, #tpu.memory_space<vmem>>)
        tpu.yield
      }) : () -> ()
      %dma_start3A = arith.constant 0 : i32
      %dma_start3A_22 = arith.constant 0 : i32
      %dma_start3A_23 = tpu.memref_slice %arg3[%dma_start3A, %dma_start3A_22] : memref<10000x128xf32, #tpu.memory_space<hbm>> -> memref<10000x128xf32, #tpu.memory_space<hbm>>
      tpu.enqueue_indirect_dma source(%dma_start3A_23 : memref<10000x128xf32, #tpu.memory_space<hbm>>) target(%arg9 : memref<80x128xf32, #tpu.memory_space<vmem>>) offsets(%arg7 : memref<80xi32, #tpu.memory_space<vmem>>) semaphore(%arg11 : memref<!tpu.dma_semaphore, #tpu.memory_space<semaphore_mem>>)
      %dma_wait3A = arith.constant 0 : i32
      %dma_wait3A_24 = arith.constant 0 : i32
      %dma_wait3A_25 = tpu.memref_slice %arg3[%dma_wait3A, %dma_wait3A_24] : memref<10000x128xf32, #tpu.memory_space<hbm>> -> memref<10000x128xf32, #tpu.memory_space<hbm>>
      tpu.wait_indirect_dma semaphore(%arg11 : memref<!tpu.dma_semaphore, #tpu.memory_space<semaphore_mem>>) src(%dma_wait3A_25 : memref<10000x128xf32, #tpu.memory_space<hbm>>) dst(%arg9 : memref<80x128xf32, #tpu.memory_space<vmem>>)
      "tpu.region"() ({
        %run_scoped3A = tpu.sem_alloc : memref<!tpu.dma_semaphore, #tpu.memory_space<semaphore_mem>>
        %dma_start3A_26 = arith.constant 0 : i32
        %dma_start3A_27 = arith.constant 0 : i32
        %dma_start3A_28 = tpu.memref_slice %arg10[%dma_start3A_26, %dma_start3A_27] : memref<10240x128xf32, #tpu.memory_space<vmem_shared>> -> memref<10240x128xf32, #tpu.memory_space<vmem_shared>>
        tpu.enqueue_indirect_dma source(%arg9 : memref<80x128xf32, #tpu.memory_space<vmem>>) target(%dma_start3A_28 : memref<10240x128xf32, #tpu.memory_space<vmem_shared>>) offsets(%arg8 : memref<80xi32, #tpu.memory_space<vmem>>) semaphore(%run_scoped3A : memref<!tpu.dma_semaphore, #tpu.memory_space<semaphore_mem>>) {add = true}
        %dma_wait3A_29 = arith.constant 0 : i32
        %dma_wait3A_30 = arith.constant 0 : i32
        %dma_wait3A_31 = tpu.memref_slice %arg10[%dma_wait3A_29, %dma_wait3A_30] : memref<10240x128xf32, #tpu.memory_space<vmem_shared>> -> memref<10240x128xf32, #tpu.memory_space<vmem_shared>>
        tpu.wait_indirect_dma semaphore(%run_scoped3A : memref<!tpu.dma_semaphore, #tpu.memory_space<semaphore_mem>>) src(%arg9 : memref<80x128xf32, #tpu.memory_space<vmem>>) dst(%dma_wait3A_31 : memref<10240x128xf32, #tpu.memory_space<vmem_shared>>)
        tpu.yield
      }) : () -> ()
    }
    %scan3A_7 = arith.constant 125 : i32
    %barrier3A_8 = arith.constant 0 : index
    tpu.barrier barrier_id(%barrier3A_8)
    %mul3A_9 = arith.constant 640 : i32
    %mul3A_10 = arith.muli %arg1, %mul3A_9 : i32
    %mul3A_11 = arith.constant 10240 : i32
    %mul3A_12 = arith.muli %arg0, %mul3A_11 : i32
    %mul3A_13 = arith.constant 640 : i32
    %mul3A_14 = arith.muli %arg1, %mul3A_13 : i32
    %add3A_15 = arith.addi %mul3A_12, %mul3A_14 : i32
    "tpu.region"() ({
      %run_scoped3A = tpu.sem_alloc : memref<!tpu.dma_semaphore, #tpu.memory_space<semaphore_mem>>
      %dma_start3A = arith.constant 0 : i32
      %dma_start3A_16 = tpu.memref_slice %arg6[%add3A_15, %dma_start3A] : memref<20480x128xf32, #tpu.memory_space<hbm>> -> memref<640x128xf32, #tpu.memory_space<hbm>>
      %dma_start3A_17 = arith.constant 0 : i32
      %dma_start3A_18 = tpu.memref_slice %arg10[%mul3A_10, %dma_start3A_17] : memref<10240x128xf32, #tpu.memory_space<vmem_shared>> -> memref<640x128xf32, #tpu.memory_space<vmem_shared>>
      tpu.enqueue_dma source(%dma_start3A_18 : memref<640x128xf32, #tpu.memory_space<vmem_shared>>) target(%dma_start3A_16 : memref<640x128xf32, #tpu.memory_space<hbm>>) target_semaphore(%run_scoped3A : memref<!tpu.dma_semaphore, #tpu.memory_space<semaphore_mem>>)
      %dma_wait3A = arith.constant 0 : i32
      %dma_wait3A_19 = tpu.memref_slice %arg6[%add3A_15, %dma_wait3A] : memref<20480x128xf32, #tpu.memory_space<hbm>> -> memref<640x128xf32, #tpu.memory_space<hbm>>
      %dma_wait3A_20 = arith.constant 0 : i32
      %dma_wait3A_21 = tpu.memref_slice %arg10[%mul3A_10, %dma_wait3A_20] : memref<10240x128xf32, #tpu.memory_space<vmem_shared>> -> memref<640x128xf32, #tpu.memory_space<vmem_shared>>
      tpu.wait_dma2 semaphore(%run_scoped3A : memref<!tpu.dma_semaphore, #tpu.memory_space<semaphore_mem>>) src(%dma_wait3A_21 : memref<640x128xf32, #tpu.memory_space<vmem_shared>>) dst(%dma_wait3A_19 : memref<640x128xf32, #tpu.memory_space<hbm>>)
      tpu.yield
    }) : () -> ()
    return
  }
}

#map = affine_map<(d0, d1) -> (0, 0)>
#map1 = affine_map<(d0, d1) -> (0)>
module attributes {stable_mosaic.version = 14 : i64} {
  func.func @agg(%arg0: i32, %arg1: i32, %arg2: memref<640x64xf32, #tpu.memory_space<hbm>>, %arg3: memref<10000x64xf32, #tpu.memory_space<hbm>>, %arg4: memref<320000xi32, #tpu.memory_space<hbm>>, %arg5: memref<320000xi32, #tpu.memory_space<hbm>>, %arg6: memref<20480x64xf32, #tpu.memory_space<hbm>>, %arg7: memref<80xi32, #tpu.memory_space<vmem>>, %arg8: memref<80xi32, #tpu.memory_space<vmem>>, %arg9: memref<80x64xf32, #tpu.memory_space<vmem>>, %arg10: memref<10240x64xf32, #tpu.memory_space<vmem_shared>>, %arg11: memref<!tpu.dma_semaphore, #tpu.memory_space<semaphore_mem>>) attributes {dimension_semantics = [#tpu.dimension_semantics<core_parallel>, #tpu.dimension_semantics<subcore_parallel>], iteration_bounds = array<i64: 2, 16>, scalar_prefetch = 0 : i64, scratch_operands = 5 : i64, tpu.core_type = #tpu.core_type<sc_vector_subcore>, window_params = [{transform_indices = #map}, {transform_indices = #map}, {transform_indices = #map1}, {transform_indices = #map1}, {transform_indices = #map}]} {
    %mul3A = arith.constant 2 : i32
    %mul3A_0 = arith.muli %arg1, %mul3A : i32
    %add3A = arith.addi %mul3A_0, %arg0 : i32
    %mul3A_1 = arith.constant 640 : i32
    %mul3A_2 = arith.muli %arg1, %mul3A_1 : i32
    "tpu.region"() ({
      %run_scoped3A = tpu.sem_alloc : memref<!tpu.dma_semaphore, #tpu.memory_space<semaphore_mem>>
      %dma_start3A = arith.constant 0 : i32
      %dma_start3A_16 = tpu.memref_slice %arg10[%mul3A_2, %dma_start3A] : memref<10240x64xf32, #tpu.memory_space<vmem_shared>> -> memref<640x64xf32, #tpu.memory_space<vmem_shared>>
      tpu.enqueue_dma source(%arg2 : memref<640x64xf32, #tpu.memory_space<hbm>>) target(%dma_start3A_16 : memref<640x64xf32, #tpu.memory_space<vmem_shared>>) target_semaphore(%run_scoped3A : memref<!tpu.dma_semaphore, #tpu.memory_space<semaphore_mem>>)
      %dma_wait3A = arith.constant 0 : i32
      %dma_wait3A_17 = tpu.memref_slice %arg10[%mul3A_2, %dma_wait3A] : memref<10240x64xf32, #tpu.memory_space<vmem_shared>> -> memref<640x64xf32, #tpu.memory_space<vmem_shared>>
      tpu.wait_dma2 semaphore(%run_scoped3A : memref<!tpu.dma_semaphore, #tpu.memory_space<semaphore_mem>>) src(%arg2 : memref<640x64xf32, #tpu.memory_space<hbm>>) dst(%dma_wait3A_17 : memref<640x64xf32, #tpu.memory_space<vmem_shared>>)
      tpu.yield
    }) : () -> ()
    %barrier3A = arith.constant 0 : index
    tpu.barrier barrier_id(%barrier3A)
    %scan3A = arith.constant 0 : i32
    %scan3A_3 = arith.constant 0 : i32
    %scan3A_4 = arith.constant 125 : i32
    %scan3A_5 = arith.addi %scan3A_3, %scan3A_4 : i32
    %scan3A_6 = arith.constant 1 : i32
    scf.for %scan3A_16 = %scan3A_3 to %scan3A_5 step %scan3A_6  : i32 {
      %mul3A_17 = arith.constant 10000 : i32
      %mul3A_18 = arith.muli %add3A, %mul3A_17 : i32
      %mul3A_19 = arith.constant 80 : i32
      %mul3A_20 = arith.muli %scan3A_16, %mul3A_19 : i32
      %add3A_21 = arith.addi %mul3A_18, %mul3A_20 : i32
      "tpu.region"() ({
        %run_scoped3A = tpu.sem_alloc : memref<!tpu.dma_semaphore, #tpu.memory_space<semaphore_mem>>
        %dma_start3A_26 = tpu.memref_slice %arg4[%add3A_21] : memref<320000xi32, #tpu.memory_space<hbm>> -> memref<80xi32, #tpu.memory_space<hbm>>
        %dma_start3A_27 = tpu.memref_slice %arg4[%add3A_21] : memref<320000xi32, #tpu.memory_space<hbm>> -> memref<80xi32, #tpu.memory_space<hbm>>
        tpu.enqueue_dma source(%dma_start3A_27 : memref<80xi32, #tpu.memory_space<hbm>>) target(%arg7 : memref<80xi32, #tpu.memory_space<vmem>>) target_semaphore(%run_scoped3A : memref<!tpu.dma_semaphore, #tpu.memory_space<semaphore_mem>>)
        %dma_wait3A_28 = tpu.memref_slice %arg4[%add3A_21] : memref<320000xi32, #tpu.memory_space<hbm>> -> memref<80xi32, #tpu.memory_space<hbm>>
        %dma_wait3A_29 = tpu.memref_slice %arg4[%add3A_21] : memref<320000xi32, #tpu.memory_space<hbm>> -> memref<80xi32, #tpu.memory_space<hbm>>
        tpu.wait_dma2 semaphore(%run_scoped3A : memref<!tpu.dma_semaphore, #tpu.memory_space<semaphore_mem>>) src(%dma_wait3A_29 : memref<80xi32, #tpu.memory_space<hbm>>) dst(%arg7 : memref<80xi32, #tpu.memory_space<vmem>>)
        tpu.yield
      }) : () -> ()
      "tpu.region"() ({
        %run_scoped3A = tpu.sem_alloc : memref<!tpu.dma_semaphore, #tpu.memory_space<semaphore_mem>>
        %dma_start3A_26 = tpu.memref_slice %arg5[%add3A_21] : memref<320000xi32, #tpu.memory_space<hbm>> -> memref<80xi32, #tpu.memory_space<hbm>>
        %dma_start3A_27 = tpu.memref_slice %arg5[%add3A_21] : memref<320000xi32, #tpu.memory_space<hbm>> -> memref<80xi32, #tpu.memory_space<hbm>>
        tpu.enqueue_dma source(%dma_start3A_27 : memref<80xi32, #tpu.memory_space<hbm>>) target(%arg8 : memref<80xi32, #tpu.memory_space<vmem>>) target_semaphore(%run_scoped3A : memref<!tpu.dma_semaphore, #tpu.memory_space<semaphore_mem>>)
        %dma_wait3A_28 = tpu.memref_slice %arg5[%add3A_21] : memref<320000xi32, #tpu.memory_space<hbm>> -> memref<80xi32, #tpu.memory_space<hbm>>
        %dma_wait3A_29 = tpu.memref_slice %arg5[%add3A_21] : memref<320000xi32, #tpu.memory_space<hbm>> -> memref<80xi32, #tpu.memory_space<hbm>>
        tpu.wait_dma2 semaphore(%run_scoped3A : memref<!tpu.dma_semaphore, #tpu.memory_space<semaphore_mem>>) src(%dma_wait3A_29 : memref<80xi32, #tpu.memory_space<hbm>>) dst(%arg8 : memref<80xi32, #tpu.memory_space<vmem>>)
        tpu.yield
      }) : () -> ()
      %dma_start3A = arith.constant 0 : i32
      %dma_start3A_22 = arith.constant 0 : i32
      %dma_start3A_23 = tpu.memref_slice %arg3[%dma_start3A, %dma_start3A_22] : memref<10000x64xf32, #tpu.memory_space<hbm>> -> memref<10000x64xf32, #tpu.memory_space<hbm>>
      tpu.enqueue_indirect_dma source(%dma_start3A_23 : memref<10000x64xf32, #tpu.memory_space<hbm>>) target(%arg9 : memref<80x64xf32, #tpu.memory_space<vmem>>) offsets(%arg7 : memref<80xi32, #tpu.memory_space<vmem>>) semaphore(%arg11 : memref<!tpu.dma_semaphore, #tpu.memory_space<semaphore_mem>>)
      %dma_wait3A = arith.constant 0 : i32
      %dma_wait3A_24 = arith.constant 0 : i32
      %dma_wait3A_25 = tpu.memref_slice %arg3[%dma_wait3A, %dma_wait3A_24] : memref<10000x64xf32, #tpu.memory_space<hbm>> -> memref<10000x64xf32, #tpu.memory_space<hbm>>
      tpu.wait_indirect_dma semaphore(%arg11 : memref<!tpu.dma_semaphore, #tpu.memory_space<semaphore_mem>>) src(%dma_wait3A_25 : memref<10000x64xf32, #tpu.memory_space<hbm>>) dst(%arg9 : memref<80x64xf32, #tpu.memory_space<vmem>>)
      "tpu.region"() ({
        %run_scoped3A = tpu.sem_alloc : memref<!tpu.dma_semaphore, #tpu.memory_space<semaphore_mem>>
        %dma_start3A_26 = arith.constant 0 : i32
        %dma_start3A_27 = arith.constant 0 : i32
        %dma_start3A_28 = tpu.memref_slice %arg10[%dma_start3A_26, %dma_start3A_27] : memref<10240x64xf32, #tpu.memory_space<vmem_shared>> -> memref<10240x64xf32, #tpu.memory_space<vmem_shared>>
        tpu.enqueue_indirect_dma source(%arg9 : memref<80x64xf32, #tpu.memory_space<vmem>>) target(%dma_start3A_28 : memref<10240x64xf32, #tpu.memory_space<vmem_shared>>) offsets(%arg8 : memref<80xi32, #tpu.memory_space<vmem>>) semaphore(%run_scoped3A : memref<!tpu.dma_semaphore, #tpu.memory_space<semaphore_mem>>) {add = true}
        %dma_wait3A_29 = arith.constant 0 : i32
        %dma_wait3A_30 = arith.constant 0 : i32
        %dma_wait3A_31 = tpu.memref_slice %arg10[%dma_wait3A_29, %dma_wait3A_30] : memref<10240x64xf32, #tpu.memory_space<vmem_shared>> -> memref<10240x64xf32, #tpu.memory_space<vmem_shared>>
        tpu.wait_indirect_dma semaphore(%run_scoped3A : memref<!tpu.dma_semaphore, #tpu.memory_space<semaphore_mem>>) src(%arg9 : memref<80x64xf32, #tpu.memory_space<vmem>>) dst(%dma_wait3A_31 : memref<10240x64xf32, #tpu.memory_space<vmem_shared>>)
        tpu.yield
      }) : () -> ()
    }
    %scan3A_7 = arith.constant 125 : i32
    %barrier3A_8 = arith.constant 0 : index
    tpu.barrier barrier_id(%barrier3A_8)
    %mul3A_9 = arith.constant 640 : i32
    %mul3A_10 = arith.muli %arg1, %mul3A_9 : i32
    %mul3A_11 = arith.constant 10240 : i32
    %mul3A_12 = arith.muli %arg0, %mul3A_11 : i32
    %mul3A_13 = arith.constant 640 : i32
    %mul3A_14 = arith.muli %arg1, %mul3A_13 : i32
    %add3A_15 = arith.addi %mul3A_12, %mul3A_14 : i32
    "tpu.region"() ({
      %run_scoped3A = tpu.sem_alloc : memref<!tpu.dma_semaphore, #tpu.memory_space<semaphore_mem>>
      %dma_start3A = arith.constant 0 : i32
      %dma_start3A_16 = tpu.memref_slice %arg6[%add3A_15, %dma_start3A] : memref<20480x64xf32, #tpu.memory_space<hbm>> -> memref<640x64xf32, #tpu.memory_space<hbm>>
      %dma_start3A_17 = arith.constant 0 : i32
      %dma_start3A_18 = tpu.memref_slice %arg10[%mul3A_10, %dma_start3A_17] : memref<10240x64xf32, #tpu.memory_space<vmem_shared>> -> memref<640x64xf32, #tpu.memory_space<vmem_shared>>
      tpu.enqueue_dma source(%dma_start3A_18 : memref<640x64xf32, #tpu.memory_space<vmem_shared>>) target(%dma_start3A_16 : memref<640x64xf32, #tpu.memory_space<hbm>>) target_semaphore(%run_scoped3A : memref<!tpu.dma_semaphore, #tpu.memory_space<semaphore_mem>>)
      %dma_wait3A = arith.constant 0 : i32
      %dma_wait3A_19 = tpu.memref_slice %arg6[%add3A_15, %dma_wait3A] : memref<20480x64xf32, #tpu.memory_space<hbm>> -> memref<640x64xf32, #tpu.memory_space<hbm>>
      %dma_wait3A_20 = arith.constant 0 : i32
      %dma_wait3A_21 = tpu.memref_slice %arg10[%mul3A_10, %dma_wait3A_20] : memref<10240x64xf32, #tpu.memory_space<vmem_shared>> -> memref<640x64xf32, #tpu.memory_space<vmem_shared>>
      tpu.wait_dma2 semaphore(%run_scoped3A : memref<!tpu.dma_semaphore, #tpu.memory_space<semaphore_mem>>) src(%dma_wait3A_21 : memref<640x64xf32, #tpu.memory_space<vmem_shared>>) dst(%dma_wait3A_19 : memref<640x64xf32, #tpu.memory_space<hbm>>)
      tpu.yield
    }) : () -> ()
    return
  }
}

#map = affine_map<(d0, d1) -> (0)>
module attributes {stable_mosaic.version = 14 : i64} {
  func.func @_deg(%arg0: i32, %arg1: i32, %arg2: memref<320000xi32, #tpu.memory_space<hbm>>, %arg3: memref<20480xf32, #tpu.memory_space<hbm>>, %arg4: memref<80xi32, #tpu.memory_space<vmem>>, %arg5: memref<80xf32, #tpu.memory_space<vmem>>, %arg6: memref<640xf32, #tpu.memory_space<vmem>>, %arg7: memref<10240xf32, #tpu.memory_space<vmem_shared>>, %arg8: memref<!tpu.dma_semaphore, #tpu.memory_space<semaphore_mem>>) attributes {dimension_semantics = [#tpu.dimension_semantics<core_parallel>, #tpu.dimension_semantics<subcore_parallel>], iteration_bounds = array<i64: 2, 16>, scalar_prefetch = 0 : i64, scratch_operands = 5 : i64, tpu.core_type = #tpu.core_type<sc_vector_subcore>, window_params = [{transform_indices = #map}, {transform_indices = #map}]} {
    %mul3A = arith.constant 2 : i32
    %mul3A_0 = arith.muli %arg1, %mul3A : i32
    %add3A = arith.addi %mul3A_0, %arg0 : i32
    %broadcast_in_dim3A = arith.constant 1.000000e+00 : f32
    %broadcast_in_dim3A_1 = vector.broadcast %broadcast_in_dim3A : f32 to vector<16xf32>
    %swap3A = arith.constant 0 : index
    %swap3A_2 = tpu.vector_load %arg5[%swap3A] {strides = array<i32>} : memref<80xf32, #tpu.memory_space<vmem>>, vector<16xf32>,
    %swap3A_3 = vector.shape_cast %swap3A_2 : vector<16xf32> to vector<16xf32>
    %swap3A_4 = vector.shape_cast %broadcast_in_dim3A_1 : vector<16xf32> to vector<16xf32>
    tpu.vector_store %arg5[%swap3A], %swap3A_4 {strides = array<i32>} : memref<80xf32, #tpu.memory_space<vmem>>, vector<16xf32>,
    %broadcast_in_dim3A_5 = arith.constant 1.000000e+00 : f32
    %broadcast_in_dim3A_6 = vector.broadcast %broadcast_in_dim3A_5 : f32 to vector<16xf32>
    %swap3A_7 = arith.constant 16 : index
    %swap3A_8 = tpu.vector_load %arg5[%swap3A_7] {strides = array<i32>} : memref<80xf32, #tpu.memory_space<vmem>>, vector<16xf32>,
    %swap3A_9 = vector.shape_cast %swap3A_8 : vector<16xf32> to vector<16xf32>
    %swap3A_10 = vector.shape_cast %broadcast_in_dim3A_6 : vector<16xf32> to vector<16xf32>
    tpu.vector_store %arg5[%swap3A_7], %swap3A_10 {strides = array<i32>} : memref<80xf32, #tpu.memory_space<vmem>>, vector<16xf32>,
    %broadcast_in_dim3A_11 = arith.constant 1.000000e+00 : f32
    %broadcast_in_dim3A_12 = vector.broadcast %broadcast_in_dim3A_11 : f32 to vector<16xf32>
    %swap3A_13 = arith.constant 32 : index
    %swap3A_14 = tpu.vector_load %arg5[%swap3A_13] {strides = array<i32>} : memref<80xf32, #tpu.memory_space<vmem>>, vector<16xf32>,
    %swap3A_15 = vector.shape_cast %swap3A_14 : vector<16xf32> to vector<16xf32>
    %swap3A_16 = vector.shape_cast %broadcast_in_dim3A_12 : vector<16xf32> to vector<16xf32>
    tpu.vector_store %arg5[%swap3A_13], %swap3A_16 {strides = array<i32>} : memref<80xf32, #tpu.memory_space<vmem>>, vector<16xf32>,
    %broadcast_in_dim3A_17 = arith.constant 1.000000e+00 : f32
    %broadcast_in_dim3A_18 = vector.broadcast %broadcast_in_dim3A_17 : f32 to vector<16xf32>
    %swap3A_19 = arith.constant 48 : index
    %swap3A_20 = tpu.vector_load %arg5[%swap3A_19] {strides = array<i32>} : memref<80xf32, #tpu.memory_space<vmem>>, vector<16xf32>,
    %swap3A_21 = vector.shape_cast %swap3A_20 : vector<16xf32> to vector<16xf32>
    %swap3A_22 = vector.shape_cast %broadcast_in_dim3A_18 : vector<16xf32> to vector<16xf32>
    tpu.vector_store %arg5[%swap3A_19], %swap3A_22 {strides = array<i32>} : memref<80xf32, #tpu.memory_space<vmem>>, vector<16xf32>,
    %broadcast_in_dim3A_23 = arith.constant 1.000000e+00 : f32
    %broadcast_in_dim3A_24 = vector.broadcast %broadcast_in_dim3A_23 : f32 to vector<16xf32>
    %swap3A_25 = arith.constant 64 : index
    %swap3A_26 = tpu.vector_load %arg5[%swap3A_25] {strides = array<i32>} : memref<80xf32, #tpu.memory_space<vmem>>, vector<16xf32>,
    %swap3A_27 = vector.shape_cast %swap3A_26 : vector<16xf32> to vector<16xf32>
    %swap3A_28 = vector.shape_cast %broadcast_in_dim3A_24 : vector<16xf32> to vector<16xf32>
    tpu.vector_store %arg5[%swap3A_25], %swap3A_28 {strides = array<i32>} : memref<80xf32, #tpu.memory_space<vmem>>, vector<16xf32>,
    %broadcast_in_dim3A_29 = arith.constant 0.000000e+00 : f32
    %broadcast_in_dim3A_30 = vector.broadcast %broadcast_in_dim3A_29 : f32 to vector<16xf32>
    %swap3A_31 = arith.constant 0 : index
    %swap3A_32 = tpu.vector_load %arg6[%swap3A_31] {strides = array<i32>} : memref<640xf32, #tpu.memory_space<vmem>>, vector<16xf32>,
    %swap3A_33 = vector.shape_cast %swap3A_32 : vector<16xf32> to vector<16xf32>
    %swap3A_34 = vector.shape_cast %broadcast_in_dim3A_30 : vector<16xf32> to vector<16xf32>
    tpu.vector_store %arg6[%swap3A_31], %swap3A_34 {strides = array<i32>} : memref<640xf32, #tpu.memory_space<vmem>>, vector<16xf32>,
    %broadcast_in_dim3A_35 = arith.constant 0.000000e+00 : f32
    %broadcast_in_dim3A_36 = vector.broadcast %broadcast_in_dim3A_35 : f32 to vector<16xf32>
    %swap3A_37 = arith.constant 16 : index
    %swap3A_38 = tpu.vector_load %arg6[%swap3A_37] {strides = array<i32>} : memref<640xf32, #tpu.memory_space<vmem>>, vector<16xf32>,
    %swap3A_39 = vector.shape_cast %swap3A_38 : vector<16xf32> to vector<16xf32>
    %swap3A_40 = vector.shape_cast %broadcast_in_dim3A_36 : vector<16xf32> to vector<16xf32>
    tpu.vector_store %arg6[%swap3A_37], %swap3A_40 {strides = array<i32>} : memref<640xf32, #tpu.memory_space<vmem>>, vector<16xf32>,
    %broadcast_in_dim3A_41 = arith.constant 0.000000e+00 : f32
    %broadcast_in_dim3A_42 = vector.broadcast %broadcast_in_dim3A_41 : f32 to vector<16xf32>
    %swap3A_43 = arith.constant 32 : index
    %swap3A_44 = tpu.vector_load %arg6[%swap3A_43] {strides = array<i32>} : memref<640xf32, #tpu.memory_space<vmem>>, vector<16xf32>,
    %swap3A_45 = vector.shape_cast %swap3A_44 : vector<16xf32> to vector<16xf32>
    %swap3A_46 = vector.shape_cast %broadcast_in_dim3A_42 : vector<16xf32> to vector<16xf32>
    tpu.vector_store %arg6[%swap3A_43], %swap3A_46 {strides = array<i32>} : memref<640xf32, #tpu.memory_space<vmem>>, vector<16xf32>,
    %broadcast_in_dim3A_47 = arith.constant 0.000000e+00 : f32
    %broadcast_in_dim3A_48 = vector.broadcast %broadcast_in_dim3A_47 : f32 to vector<16xf32>
    %swap3A_49 = arith.constant 48 : index
    %swap3A_50 = tpu.vector_load %arg6[%swap3A_49] {strides = array<i32>} : memref<640xf32, #tpu.memory_space<vmem>>, vector<16xf32>,
    %swap3A_51 = vector.shape_cast %swap3A_50 : vector<16xf32> to vector<16xf32>
    %swap3A_52 = vector.shape_cast %broadcast_in_dim3A_48 : vector<16xf32> to vector<16xf32>
    tpu.vector_store %arg6[%swap3A_49], %swap3A_52 {strides = array<i32>} : memref<640xf32, #tpu.memory_space<vmem>>, vector<16xf32>,
    %broadcast_in_dim3A_53 = arith.constant 0.000000e+00 : f32
    %broadcast_in_dim3A_54 = vector.broadcast %broadcast_in_dim3A_53 : f32 to vector<16xf32>
    %swap3A_55 = arith.constant 64 : index
    %swap3A_56 = tpu.vector_load %arg6[%swap3A_55] {strides = array<i32>} : memref<640xf32, #tpu.memory_space<vmem>>, vector<16xf32>,
    %swap3A_57 = vector.shape_cast %swap3A_56 : vector<16xf32> to vector<16xf32>
    %swap3A_58 = vector.shape_cast %broadcast_in_dim3A_54 : vector<16xf32> to vector<16xf32>
    tpu.vector_store %arg6[%swap3A_55], %swap3A_58 {strides = array<i32>} : memref<640xf32, #tpu.memory_space<vmem>>, vector<16xf32>,
    %broadcast_in_dim3A_59 = arith.constant 0.000000e+00 : f32
    %broadcast_in_dim3A_60 = vector.broadcast %broadcast_in_dim3A_59 : f32 to vector<16xf32>
    %swap3A_61 = arith.constant 80 : index
    %swap3A_62 = tpu.vector_load %arg6[%swap3A_61] {strides = array<i32>} : memref<640xf32, #tpu.memory_space<vmem>>, vector<16xf32>,
    %swap3A_63 = vector.shape_cast %swap3A_62 : vector<16xf32> to vector<16xf32>
    %swap3A_64 = vector.shape_cast %broadcast_in_dim3A_60 : vector<16xf32> to vector<16xf32>
    tpu.vector_store %arg6[%swap3A_61], %swap3A_64 {strides = array<i32>} : memref<640xf32, #tpu.memory_space<vmem>>, vector<16xf32>,
    %broadcast_in_dim3A_65 = arith.constant 0.000000e+00 : f32
    %broadcast_in_dim3A_66 = vector.broadcast %broadcast_in_dim3A_65 : f32 to vector<16xf32>
    %swap3A_67 = arith.constant 96 : index
    %swap3A_68 = tpu.vector_load %arg6[%swap3A_67] {strides = array<i32>} : memref<640xf32, #tpu.memory_space<vmem>>, vector<16xf32>,
    %swap3A_69 = vector.shape_cast %swap3A_68 : vector<16xf32> to vector<16xf32>
    %swap3A_70 = vector.shape_cast %broadcast_in_dim3A_66 : vector<16xf32> to vector<16xf32>
    tpu.vector_store %arg6[%swap3A_67], %swap3A_70 {strides = array<i32>} : memref<640xf32, #tpu.memory_space<vmem>>, vector<16xf32>,
    %broadcast_in_dim3A_71 = arith.constant 0.000000e+00 : f32
    %broadcast_in_dim3A_72 = vector.broadcast %broadcast_in_dim3A_71 : f32 to vector<16xf32>
    %swap3A_73 = arith.constant 112 : index
    %swap3A_74 = tpu.vector_load %arg6[%swap3A_73] {strides = array<i32>} : memref<640xf32, #tpu.memory_space<vmem>>, vector<16xf32>,
    %swap3A_75 = vector.shape_cast %swap3A_74 : vector<16xf32> to vector<16xf32>
    %swap3A_76 = vector.shape_cast %broadcast_in_dim3A_72 : vector<16xf32> to vector<16xf32>
    tpu.vector_store %arg6[%swap3A_73], %swap3A_76 {strides = array<i32>} : memref<640xf32, #tpu.memory_space<vmem>>, vector<16xf32>,
    %broadcast_in_dim3A_77 = arith.constant 0.000000e+00 : f32
    %broadcast_in_dim3A_78 = vector.broadcast %broadcast_in_dim3A_77 : f32 to vector<16xf32>
    %swap3A_79 = arith.constant 128 : index
    %swap3A_80 = tpu.vector_load %arg6[%swap3A_79] {strides = array<i32>} : memref<640xf32, #tpu.memory_space<vmem>>, vector<16xf32>,
    %swap3A_81 = vector.shape_cast %swap3A_80 : vector<16xf32> to vector<16xf32>
    %swap3A_82 = vector.shape_cast %broadcast_in_dim3A_78 : vector<16xf32> to vector<16xf32>
    tpu.vector_store %arg6[%swap3A_79], %swap3A_82 {strides = array<i32>} : memref<640xf32, #tpu.memory_space<vmem>>, vector<16xf32>,
    %broadcast_in_dim3A_83 = arith.constant 0.000000e+00 : f32
    %broadcast_in_dim3A_84 = vector.broadcast %broadcast_in_dim3A_83 : f32 to vector<16xf32>
    %swap3A_85 = arith.constant 144 : index
    %swap3A_86 = tpu.vector_load %arg6[%swap3A_85] {strides = array<i32>} : memref<640xf32, #tpu.memory_space<vmem>>, vector<16xf32>,
    %swap3A_87 = vector.shape_cast %swap3A_86 : vector<16xf32> to vector<16xf32>
    %swap3A_88 = vector.shape_cast %broadcast_in_dim3A_84 : vector<16xf32> to vector<16xf32>
    tpu.vector_store %arg6[%swap3A_85], %swap3A_88 {strides = array<i32>} : memref<640xf32, #tpu.memory_space<vmem>>, vector<16xf32>,
    %broadcast_in_dim3A_89 = arith.constant 0.000000e+00 : f32
    %broadcast_in_dim3A_90 = vector.broadcast %broadcast_in_dim3A_89 : f32 to vector<16xf32>
    %swap3A_91 = arith.constant 160 : index
    %swap3A_92 = tpu.vector_load %arg6[%swap3A_91] {strides = array<i32>} : memref<640xf32, #tpu.memory_space<vmem>>, vector<16xf32>,
    %swap3A_93 = vector.shape_cast %swap3A_92 : vector<16xf32> to vector<16xf32>
    %swap3A_94 = vector.shape_cast %broadcast_in_dim3A_90 : vector<16xf32> to vector<16xf32>
    tpu.vector_store %arg6[%swap3A_91], %swap3A_94 {strides = array<i32>} : memref<640xf32, #tpu.memory_space<vmem>>, vector<16xf32>,
    %broadcast_in_dim3A_95 = arith.constant 0.000000e+00 : f32
    %broadcast_in_dim3A_96 = vector.broadcast %broadcast_in_dim3A_95 : f32 to vector<16xf32>
    %swap3A_97 = arith.constant 176 : index
    %swap3A_98 = tpu.vector_load %arg6[%swap3A_97] {strides = array<i32>} : memref<640xf32, #tpu.memory_space<vmem>>, vector<16xf32>,
    %swap3A_99 = vector.shape_cast %swap3A_98 : vector<16xf32> to vector<16xf32>
    %swap3A_100 = vector.shape_cast %broadcast_in_dim3A_96 : vector<16xf32> to vector<16xf32>
    tpu.vector_store %arg6[%swap3A_97], %swap3A_100 {strides = array<i32>} : memref<640xf32, #tpu.memory_space<vmem>>, vector<16xf32>,
    %broadcast_in_dim3A_101 = arith.constant 0.000000e+00 : f32
    %broadcast_in_dim3A_102 = vector.broadcast %broadcast_in_dim3A_101 : f32 to vector<16xf32>
    %swap3A_103 = arith.constant 192 : index
    %swap3A_104 = tpu.vector_load %arg6[%swap3A_103] {strides = array<i32>} : memref<640xf32, #tpu.memory_space<vmem>>, vector<16xf32>,
    %swap3A_105 = vector.shape_cast %swap3A_104 : vector<16xf32> to vector<16xf32>
    %swap3A_106 = vector.shape_cast %broadcast_in_dim3A_102 : vector<16xf32> to vector<16xf32>
    tpu.vector_store %arg6[%swap3A_103], %swap3A_106 {strides = array<i32>} : memref<640xf32, #tpu.memory_space<vmem>>, vector<16xf32>,
    %broadcast_in_dim3A_107 = arith.constant 0.000000e+00 : f32
    %broadcast_in_dim3A_108 = vector.broadcast %broadcast_in_dim3A_107 : f32 to vector<16xf32>
    %swap3A_109 = arith.constant 208 : index
    %swap3A_110 = tpu.vector_load %arg6[%swap3A_109] {strides = array<i32>} : memref<640xf32, #tpu.memory_space<vmem>>, vector<16xf32>,
    %swap3A_111 = vector.shape_cast %swap3A_110 : vector<16xf32> to vector<16xf32>
    %swap3A_112 = vector.shape_cast %broadcast_in_dim3A_108 : vector<16xf32> to vector<16xf32>
    tpu.vector_store %arg6[%swap3A_109], %swap3A_112 {strides = array<i32>} : memref<640xf32, #tpu.memory_space<vmem>>, vector<16xf32>,
    %broadcast_in_dim3A_113 = arith.constant 0.000000e+00 : f32
    %broadcast_in_dim3A_114 = vector.broadcast %broadcast_in_dim3A_113 : f32 to vector<16xf32>
    %swap3A_115 = arith.constant 224 : index
    %swap3A_116 = tpu.vector_load %arg6[%swap3A_115] {strides = array<i32>} : memref<640xf32, #tpu.memory_space<vmem>>, vector<16xf32>,
    %swap3A_117 = vector.shape_cast %swap3A_116 : vector<16xf32> to vector<16xf32>
    %swap3A_118 = vector.shape_cast %broadcast_in_dim3A_114 : vector<16xf32> to vector<16xf32>
    tpu.vector_store %arg6[%swap3A_115], %swap3A_118 {strides = array<i32>} : memref<640xf32, #tpu.memory_space<vmem>>, vector<16xf32>,
    %broadcast_in_dim3A_119 = arith.constant 0.000000e+00 : f32
    %broadcast_in_dim3A_120 = vector.broadcast %broadcast_in_dim3A_119 : f32 to vector<16xf32>
    %swap3A_121 = arith.constant 240 : index
    %swap3A_122 = tpu.vector_load %arg6[%swap3A_121] {strides = array<i32>} : memref<640xf32, #tpu.memory_space<vmem>>, vector<16xf32>,
    %swap3A_123 = vector.shape_cast %swap3A_122 : vector<16xf32> to vector<16xf32>
    %swap3A_124 = vector.shape_cast %broadcast_in_dim3A_120 : vector<16xf32> to vector<16xf32>
    tpu.vector_store %arg6[%swap3A_121], %swap3A_124 {strides = array<i32>} : memref<640xf32, #tpu.memory_space<vmem>>, vector<16xf32>,
    %broadcast_in_dim3A_125 = arith.constant 0.000000e+00 : f32
    %broadcast_in_dim3A_126 = vector.broadcast %broadcast_in_dim3A_125 : f32 to vector<16xf32>
    %swap3A_127 = arith.constant 256 : index
    %swap3A_128 = tpu.vector_load %arg6[%swap3A_127] {strides = array<i32>} : memref<640xf32, #tpu.memory_space<vmem>>, vector<16xf32>,
    %swap3A_129 = vector.shape_cast %swap3A_128 : vector<16xf32> to vector<16xf32>
    %swap3A_130 = vector.shape_cast %broadcast_in_dim3A_126 : vector<16xf32> to vector<16xf32>
    tpu.vector_store %arg6[%swap3A_127], %swap3A_130 {strides = array<i32>} : memref<640xf32, #tpu.memory_space<vmem>>, vector<16xf32>,
    %broadcast_in_dim3A_131 = arith.constant 0.000000e+00 : f32
    %broadcast_in_dim3A_132 = vector.broadcast %broadcast_in_dim3A_131 : f32 to vector<16xf32>
    %swap3A_133 = arith.constant 272 : index
    %swap3A_134 = tpu.vector_load %arg6[%swap3A_133] {strides = array<i32>} : memref<640xf32, #tpu.memory_space<vmem>>, vector<16xf32>,
    %swap3A_135 = vector.shape_cast %swap3A_134 : vector<16xf32> to vector<16xf32>
    %swap3A_136 = vector.shape_cast %broadcast_in_dim3A_132 : vector<16xf32> to vector<16xf32>
    tpu.vector_store %arg6[%swap3A_133], %swap3A_136 {strides = array<i32>} : memref<640xf32, #tpu.memory_space<vmem>>, vector<16xf32>,
    %broadcast_in_dim3A_137 = arith.constant 0.000000e+00 : f32
    %broadcast_in_dim3A_138 = vector.broadcast %broadcast_in_dim3A_137 : f32 to vector<16xf32>
    %swap3A_139 = arith.constant 288 : index
    %swap3A_140 = tpu.vector_load %arg6[%swap3A_139] {strides = array<i32>} : memref<640xf32, #tpu.memory_space<vmem>>, vector<16xf32>,
    %swap3A_141 = vector.shape_cast %swap3A_140 : vector<16xf32> to vector<16xf32>
    %swap3A_142 = vector.shape_cast %broadcast_in_dim3A_138 : vector<16xf32> to vector<16xf32>
    tpu.vector_store %arg6[%swap3A_139], %swap3A_142 {strides = array<i32>} : memref<640xf32, #tpu.memory_space<vmem>>, vector<16xf32>,
    %broadcast_in_dim3A_143 = arith.constant 0.000000e+00 : f32
    %broadcast_in_dim3A_144 = vector.broadcast %broadcast_in_dim3A_143 : f32 to vector<16xf32>
    %swap3A_145 = arith.constant 304 : index
    %swap3A_146 = tpu.vector_load %arg6[%swap3A_145] {strides = array<i32>} : memref<640xf32, #tpu.memory_space<vmem>>, vector<16xf32>,
    %swap3A_147 = vector.shape_cast %swap3A_146 : vector<16xf32> to vector<16xf32>
    %swap3A_148 = vector.shape_cast %broadcast_in_dim3A_144 : vector<16xf32> to vector<16xf32>
    tpu.vector_store %arg6[%swap3A_145], %swap3A_148 {strides = array<i32>} : memref<640xf32, #tpu.memory_space<vmem>>, vector<16xf32>,
    %broadcast_in_dim3A_149 = arith.constant 0.000000e+00 : f32
    %broadcast_in_dim3A_150 = vector.broadcast %broadcast_in_dim3A_149 : f32 to vector<16xf32>
    %swap3A_151 = arith.constant 320 : index
    %swap3A_152 = tpu.vector_load %arg6[%swap3A_151] {strides = array<i32>} : memref<640xf32, #tpu.memory_space<vmem>>, vector<16xf32>,
    %swap3A_153 = vector.shape_cast %swap3A_152 : vector<16xf32> to vector<16xf32>
    %swap3A_154 = vector.shape_cast %broadcast_in_dim3A_150 : vector<16xf32> to vector<16xf32>
    tpu.vector_store %arg6[%swap3A_151], %swap3A_154 {strides = array<i32>} : memref<640xf32, #tpu.memory_space<vmem>>, vector<16xf32>,
    %broadcast_in_dim3A_155 = arith.constant 0.000000e+00 : f32
    %broadcast_in_dim3A_156 = vector.broadcast %broadcast_in_dim3A_155 : f32 to vector<16xf32>
    %swap3A_157 = arith.constant 336 : index
    %swap3A_158 = tpu.vector_load %arg6[%swap3A_157] {strides = array<i32>} : memref<640xf32, #tpu.memory_space<vmem>>, vector<16xf32>,
    %swap3A_159 = vector.shape_cast %swap3A_158 : vector<16xf32> to vector<16xf32>
    %swap3A_160 = vector.shape_cast %broadcast_in_dim3A_156 : vector<16xf32> to vector<16xf32>
    tpu.vector_store %arg6[%swap3A_157], %swap3A_160 {strides = array<i32>} : memref<640xf32, #tpu.memory_space<vmem>>, vector<16xf32>,
    %broadcast_in_dim3A_161 = arith.constant 0.000000e+00 : f32
    %broadcast_in_dim3A_162 = vector.broadcast %broadcast_in_dim3A_161 : f32 to vector<16xf32>
    %swap3A_163 = arith.constant 352 : index
    %swap3A_164 = tpu.vector_load %arg6[%swap3A_163] {strides = array<i32>} : memref<640xf32, #tpu.memory_space<vmem>>, vector<16xf32>,
    %swap3A_165 = vector.shape_cast %swap3A_164 : vector<16xf32> to vector<16xf32>
    %swap3A_166 = vector.shape_cast %broadcast_in_dim3A_162 : vector<16xf32> to vector<16xf32>
    tpu.vector_store %arg6[%swap3A_163], %swap3A_166 {strides = array<i32>} : memref<640xf32, #tpu.memory_space<vmem>>, vector<16xf32>,
    %broadcast_in_dim3A_167 = arith.constant 0.000000e+00 : f32
    %broadcast_in_dim3A_168 = vector.broadcast %broadcast_in_dim3A_167 : f32 to vector<16xf32>
    %swap3A_169 = arith.constant 368 : index
    %swap3A_170 = tpu.vector_load %arg6[%swap3A_169] {strides = array<i32>} : memref<640xf32, #tpu.memory_space<vmem>>, vector<16xf32>,
    %swap3A_171 = vector.shape_cast %swap3A_170 : vector<16xf32> to vector<16xf32>
    %swap3A_172 = vector.shape_cast %broadcast_in_dim3A_168 : vector<16xf32> to vector<16xf32>
    tpu.vector_store %arg6[%swap3A_169], %swap3A_172 {strides = array<i32>} : memref<640xf32, #tpu.memory_space<vmem>>, vector<16xf32>,
    %broadcast_in_dim3A_173 = arith.constant 0.000000e+00 : f32
    %broadcast_in_dim3A_174 = vector.broadcast %broadcast_in_dim3A_173 : f32 to vector<16xf32>
    %swap3A_175 = arith.constant 384 : index
    %swap3A_176 = tpu.vector_load %arg6[%swap3A_175] {strides = array<i32>} : memref<640xf32, #tpu.memory_space<vmem>>, vector<16xf32>,
    %swap3A_177 = vector.shape_cast %swap3A_176 : vector<16xf32> to vector<16xf32>
    %swap3A_178 = vector.shape_cast %broadcast_in_dim3A_174 : vector<16xf32> to vector<16xf32>
    tpu.vector_store %arg6[%swap3A_175], %swap3A_178 {strides = array<i32>} : memref<640xf32, #tpu.memory_space<vmem>>, vector<16xf32>,
    %broadcast_in_dim3A_179 = arith.constant 0.000000e+00 : f32
    %broadcast_in_dim3A_180 = vector.broadcast %broadcast_in_dim3A_179 : f32 to vector<16xf32>
    %swap3A_181 = arith.constant 400 : index
    %swap3A_182 = tpu.vector_load %arg6[%swap3A_181] {strides = array<i32>} : memref<640xf32, #tpu.memory_space<vmem>>, vector<16xf32>,
    %swap3A_183 = vector.shape_cast %swap3A_182 : vector<16xf32> to vector<16xf32>
    %swap3A_184 = vector.shape_cast %broadcast_in_dim3A_180 : vector<16xf32> to vector<16xf32>
    tpu.vector_store %arg6[%swap3A_181], %swap3A_184 {strides = array<i32>} : memref<640xf32, #tpu.memory_space<vmem>>, vector<16xf32>,
    %broadcast_in_dim3A_185 = arith.constant 0.000000e+00 : f32
    %broadcast_in_dim3A_186 = vector.broadcast %broadcast_in_dim3A_185 : f32 to vector<16xf32>
    %swap3A_187 = arith.constant 416 : index
    %swap3A_188 = tpu.vector_load %arg6[%swap3A_187] {strides = array<i32>} : memref<640xf32, #tpu.memory_space<vmem>>, vector<16xf32>,
    %swap3A_189 = vector.shape_cast %swap3A_188 : vector<16xf32> to vector<16xf32>
    %swap3A_190 = vector.shape_cast %broadcast_in_dim3A_186 : vector<16xf32> to vector<16xf32>
    tpu.vector_store %arg6[%swap3A_187], %swap3A_190 {strides = array<i32>} : memref<640xf32, #tpu.memory_space<vmem>>, vector<16xf32>,
    %broadcast_in_dim3A_191 = arith.constant 0.000000e+00 : f32
    %broadcast_in_dim3A_192 = vector.broadcast %broadcast_in_dim3A_191 : f32 to vector<16xf32>
    %swap3A_193 = arith.constant 432 : index
    %swap3A_194 = tpu.vector_load %arg6[%swap3A_193] {strides = array<i32>} : memref<640xf32, #tpu.memory_space<vmem>>, vector<16xf32>,
    %swap3A_195 = vector.shape_cast %swap3A_194 : vector<16xf32> to vector<16xf32>
    %swap3A_196 = vector.shape_cast %broadcast_in_dim3A_192 : vector<16xf32> to vector<16xf32>
    tpu.vector_store %arg6[%swap3A_193], %swap3A_196 {strides = array<i32>} : memref<640xf32, #tpu.memory_space<vmem>>, vector<16xf32>,
    %broadcast_in_dim3A_197 = arith.constant 0.000000e+00 : f32
    %broadcast_in_dim3A_198 = vector.broadcast %broadcast_in_dim3A_197 : f32 to vector<16xf32>
    %swap3A_199 = arith.constant 448 : index
    %swap3A_200 = tpu.vector_load %arg6[%swap3A_199] {strides = array<i32>} : memref<640xf32, #tpu.memory_space<vmem>>, vector<16xf32>,
    %swap3A_201 = vector.shape_cast %swap3A_200 : vector<16xf32> to vector<16xf32>
    %swap3A_202 = vector.shape_cast %broadcast_in_dim3A_198 : vector<16xf32> to vector<16xf32>
    tpu.vector_store %arg6[%swap3A_199], %swap3A_202 {strides = array<i32>} : memref<640xf32, #tpu.memory_space<vmem>>, vector<16xf32>,
    %broadcast_in_dim3A_203 = arith.constant 0.000000e+00 : f32
    %broadcast_in_dim3A_204 = vector.broadcast %broadcast_in_dim3A_203 : f32 to vector<16xf32>
    %swap3A_205 = arith.constant 464 : index
    %swap3A_206 = tpu.vector_load %arg6[%swap3A_205] {strides = array<i32>} : memref<640xf32, #tpu.memory_space<vmem>>, vector<16xf32>,
    %swap3A_207 = vector.shape_cast %swap3A_206 : vector<16xf32> to vector<16xf32>
    %swap3A_208 = vector.shape_cast %broadcast_in_dim3A_204 : vector<16xf32> to vector<16xf32>
    tpu.vector_store %arg6[%swap3A_205], %swap3A_208 {strides = array<i32>} : memref<640xf32, #tpu.memory_space<vmem>>, vector<16xf32>,
    %broadcast_in_dim3A_209 = arith.constant 0.000000e+00 : f32
    %broadcast_in_dim3A_210 = vector.broadcast %broadcast_in_dim3A_209 : f32 to vector<16xf32>
    %swap3A_211 = arith.constant 480 : index
    %swap3A_212 = tpu.vector_load %arg6[%swap3A_211] {strides = array<i32>} : memref<640xf32, #tpu.memory_space<vmem>>, vector<16xf32>,
    %swap3A_213 = vector.shape_cast %swap3A_212 : vector<16xf32> to vector<16xf32>
    %swap3A_214 = vector.shape_cast %broadcast_in_dim3A_210 : vector<16xf32> to vector<16xf32>
    tpu.vector_store %arg6[%swap3A_211], %swap3A_214 {strides = array<i32>} : memref<640xf32, #tpu.memory_space<vmem>>, vector<16xf32>,
    %broadcast_in_dim3A_215 = arith.constant 0.000000e+00 : f32
    %broadcast_in_dim3A_216 = vector.broadcast %broadcast_in_dim3A_215 : f32 to vector<16xf32>
    %swap3A_217 = arith.constant 496 : index
    %swap3A_218 = tpu.vector_load %arg6[%swap3A_217] {strides = array<i32>} : memref<640xf32, #tpu.memory_space<vmem>>, vector<16xf32>,
    %swap3A_219 = vector.shape_cast %swap3A_218 : vector<16xf32> to vector<16xf32>
    %swap3A_220 = vector.shape_cast %broadcast_in_dim3A_216 : vector<16xf32> to vector<16xf32>
    tpu.vector_store %arg6[%swap3A_217], %swap3A_220 {strides = array<i32>} : memref<640xf32, #tpu.memory_space<vmem>>, vector<16xf32>,
    %broadcast_in_dim3A_221 = arith.constant 0.000000e+00 : f32
    %broadcast_in_dim3A_222 = vector.broadcast %broadcast_in_dim3A_221 : f32 to vector<16xf32>
    %swap3A_223 = arith.constant 512 : index
    %swap3A_224 = tpu.vector_load %arg6[%swap3A_223] {strides = array<i32>} : memref<640xf32, #tpu.memory_space<vmem>>, vector<16xf32>,
    %swap3A_225 = vector.shape_cast %swap3A_224 : vector<16xf32> to vector<16xf32>
    %swap3A_226 = vector.shape_cast %broadcast_in_dim3A_222 : vector<16xf32> to vector<16xf32>
    tpu.vector_store %arg6[%swap3A_223], %swap3A_226 {strides = array<i32>} : memref<640xf32, #tpu.memory_space<vmem>>, vector<16xf32>,
    %broadcast_in_dim3A_227 = arith.constant 0.000000e+00 : f32
    %broadcast_in_dim3A_228 = vector.broadcast %broadcast_in_dim3A_227 : f32 to vector<16xf32>
    %swap3A_229 = arith.constant 528 : index
    %swap3A_230 = tpu.vector_load %arg6[%swap3A_229] {strides = array<i32>} : memref<640xf32, #tpu.memory_space<vmem>>, vector<16xf32>,
    %swap3A_231 = vector.shape_cast %swap3A_230 : vector<16xf32> to vector<16xf32>
    %swap3A_232 = vector.shape_cast %broadcast_in_dim3A_228 : vector<16xf32> to vector<16xf32>
    tpu.vector_store %arg6[%swap3A_229], %swap3A_232 {strides = array<i32>} : memref<640xf32, #tpu.memory_space<vmem>>, vector<16xf32>,
    %broadcast_in_dim3A_233 = arith.constant 0.000000e+00 : f32
    %broadcast_in_dim3A_234 = vector.broadcast %broadcast_in_dim3A_233 : f32 to vector<16xf32>
    %swap3A_235 = arith.constant 544 : index
    %swap3A_236 = tpu.vector_load %arg6[%swap3A_235] {strides = array<i32>} : memref<640xf32, #tpu.memory_space<vmem>>, vector<16xf32>,
    %swap3A_237 = vector.shape_cast %swap3A_236 : vector<16xf32> to vector<16xf32>
    %swap3A_238 = vector.shape_cast %broadcast_in_dim3A_234 : vector<16xf32> to vector<16xf32>
    tpu.vector_store %arg6[%swap3A_235], %swap3A_238 {strides = array<i32>} : memref<640xf32, #tpu.memory_space<vmem>>, vector<16xf32>,
    %broadcast_in_dim3A_239 = arith.constant 0.000000e+00 : f32
    %broadcast_in_dim3A_240 = vector.broadcast %broadcast_in_dim3A_239 : f32 to vector<16xf32>
    %swap3A_241 = arith.constant 560 : index
    %swap3A_242 = tpu.vector_load %arg6[%swap3A_241] {strides = array<i32>} : memref<640xf32, #tpu.memory_space<vmem>>, vector<16xf32>,
    %swap3A_243 = vector.shape_cast %swap3A_242 : vector<16xf32> to vector<16xf32>
    %swap3A_244 = vector.shape_cast %broadcast_in_dim3A_240 : vector<16xf32> to vector<16xf32>
    tpu.vector_store %arg6[%swap3A_241], %swap3A_244 {strides = array<i32>} : memref<640xf32, #tpu.memory_space<vmem>>, vector<16xf32>,
    %broadcast_in_dim3A_245 = arith.constant 0.000000e+00 : f32
    %broadcast_in_dim3A_246 = vector.broadcast %broadcast_in_dim3A_245 : f32 to vector<16xf32>
    %swap3A_247 = arith.constant 576 : index
    %swap3A_248 = tpu.vector_load %arg6[%swap3A_247] {strides = array<i32>} : memref<640xf32, #tpu.memory_space<vmem>>, vector<16xf32>,
    %swap3A_249 = vector.shape_cast %swap3A_248 : vector<16xf32> to vector<16xf32>
    %swap3A_250 = vector.shape_cast %broadcast_in_dim3A_246 : vector<16xf32> to vector<16xf32>
    tpu.vector_store %arg6[%swap3A_247], %swap3A_250 {strides = array<i32>} : memref<640xf32, #tpu.memory_space<vmem>>, vector<16xf32>,
    %broadcast_in_dim3A_251 = arith.constant 0.000000e+00 : f32
    %broadcast_in_dim3A_252 = vector.broadcast %broadcast_in_dim3A_251 : f32 to vector<16xf32>
    %swap3A_253 = arith.constant 592 : index
    %swap3A_254 = tpu.vector_load %arg6[%swap3A_253] {strides = array<i32>} : memref<640xf32, #tpu.memory_space<vmem>>, vector<16xf32>,
    %swap3A_255 = vector.shape_cast %swap3A_254 : vector<16xf32> to vector<16xf32>
    %swap3A_256 = vector.shape_cast %broadcast_in_dim3A_252 : vector<16xf32> to vector<16xf32>
    tpu.vector_store %arg6[%swap3A_253], %swap3A_256 {strides = array<i32>} : memref<640xf32, #tpu.memory_space<vmem>>, vector<16xf32>,
    %broadcast_in_dim3A_257 = arith.constant 0.000000e+00 : f32
    %broadcast_in_dim3A_258 = vector.broadcast %broadcast_in_dim3A_257 : f32 to vector<16xf32>
    %swap3A_259 = arith.constant 608 : index
    %swap3A_260 = tpu.vector_load %arg6[%swap3A_259] {strides = array<i32>} : memref<640xf32, #tpu.memory_space<vmem>>, vector<16xf32>,
    %swap3A_261 = vector.shape_cast %swap3A_260 : vector<16xf32> to vector<16xf32>
    %swap3A_262 = vector.shape_cast %broadcast_in_dim3A_258 : vector<16xf32> to vector<16xf32>
    tpu.vector_store %arg6[%swap3A_259], %swap3A_262 {strides = array<i32>} : memref<640xf32, #tpu.memory_space<vmem>>, vector<16xf32>,
    %broadcast_in_dim3A_263 = arith.constant 0.000000e+00 : f32
    %broadcast_in_dim3A_264 = vector.broadcast %broadcast_in_dim3A_263 : f32 to vector<16xf32>
    %swap3A_265 = arith.constant 624 : index
    %swap3A_266 = tpu.vector_load %arg6[%swap3A_265] {strides = array<i32>} : memref<640xf32, #tpu.memory_space<vmem>>, vector<16xf32>,
    %swap3A_267 = vector.shape_cast %swap3A_266 : vector<16xf32> to vector<16xf32>
    %swap3A_268 = vector.shape_cast %broadcast_in_dim3A_264 : vector<16xf32> to vector<16xf32>
    tpu.vector_store %arg6[%swap3A_265], %swap3A_268 {strides = array<i32>} : memref<640xf32, #tpu.memory_space<vmem>>, vector<16xf32>,
    %mul3A_269 = arith.constant 640 : i32
    %mul3A_270 = arith.muli %arg1, %mul3A_269 : i32
    "tpu.region"() ({
      %run_scoped3A = tpu.sem_alloc : memref<!tpu.dma_semaphore, #tpu.memory_space<semaphore_mem>>
      %dma_start3A = tpu.memref_slice %arg7[%mul3A_270] : memref<10240xf32, #tpu.memory_space<vmem_shared>> -> memref<640xf32, #tpu.memory_space<vmem_shared>>
      %dma_start3A_284 = tpu.memref_slice %arg7[%mul3A_270] : memref<10240xf32, #tpu.memory_space<vmem_shared>> -> memref<640xf32, #tpu.memory_space<vmem_shared>>
      tpu.enqueue_dma source(%arg6 : memref<640xf32, #tpu.memory_space<vmem>>) target(%dma_start3A_284 : memref<640xf32, #tpu.memory_space<vmem_shared>>) target_semaphore(%run_scoped3A : memref<!tpu.dma_semaphore, #tpu.memory_space<semaphore_mem>>)
      %dma_wait3A = tpu.memref_slice %arg7[%mul3A_270] : memref<10240xf32, #tpu.memory_space<vmem_shared>> -> memref<640xf32, #tpu.memory_space<vmem_shared>>
      %dma_wait3A_285 = tpu.memref_slice %arg7[%mul3A_270] : memref<10240xf32, #tpu.memory_space<vmem_shared>> -> memref<640xf32, #tpu.memory_space<vmem_shared>>
      tpu.wait_dma2 semaphore(%run_scoped3A : memref<!tpu.dma_semaphore, #tpu.memory_space<semaphore_mem>>) src(%arg6 : memref<640xf32, #tpu.memory_space<vmem>>) dst(%dma_wait3A_285 : memref<640xf32, #tpu.memory_space<vmem_shared>>)
      tpu.yield
    }) : () -> ()
    %barrier3A = arith.constant 0 : index
    tpu.barrier barrier_id(%barrier3A)
    %scan3A = arith.constant 0 : i32
    %scan3A_271 = arith.constant 0 : i32
    %scan3A_272 = arith.constant 125 : i32
    %scan3A_273 = arith.addi %scan3A_271, %scan3A_272 : i32
    %scan3A_274 = arith.constant 1 : i32
    scf.for %scan3A_284 = %scan3A_271 to %scan3A_273 step %scan3A_274  : i32 {
      %mul3A_285 = arith.constant 10000 : i32
      %mul3A_286 = arith.muli %add3A, %mul3A_285 : i32
      %mul3A_287 = arith.constant 80 : i32
      %mul3A_288 = arith.muli %scan3A_284, %mul3A_287 : i32
      %add3A_289 = arith.addi %mul3A_286, %mul3A_288 : i32
      "tpu.region"() ({
        %run_scoped3A = tpu.sem_alloc : memref<!tpu.dma_semaphore, #tpu.memory_space<semaphore_mem>>
        %dma_start3A = tpu.memref_slice %arg2[%add3A_289] : memref<320000xi32, #tpu.memory_space<hbm>> -> memref<80xi32, #tpu.memory_space<hbm>>
        %dma_start3A_290 = tpu.memref_slice %arg2[%add3A_289] : memref<320000xi32, #tpu.memory_space<hbm>> -> memref<80xi32, #tpu.memory_space<hbm>>
        tpu.enqueue_dma source(%dma_start3A_290 : memref<80xi32, #tpu.memory_space<hbm>>) target(%arg4 : memref<80xi32, #tpu.memory_space<vmem>>) target_semaphore(%run_scoped3A : memref<!tpu.dma_semaphore, #tpu.memory_space<semaphore_mem>>)
        %dma_wait3A = tpu.memref_slice %arg2[%add3A_289] : memref<320000xi32, #tpu.memory_space<hbm>> -> memref<80xi32, #tpu.memory_space<hbm>>
        %dma_wait3A_291 = tpu.memref_slice %arg2[%add3A_289] : memref<320000xi32, #tpu.memory_space<hbm>> -> memref<80xi32, #tpu.memory_space<hbm>>
        tpu.wait_dma2 semaphore(%run_scoped3A : memref<!tpu.dma_semaphore, #tpu.memory_space<semaphore_mem>>) src(%dma_wait3A_291 : memref<80xi32, #tpu.memory_space<hbm>>) dst(%arg4 : memref<80xi32, #tpu.memory_space<vmem>>)
        tpu.yield
      }) : () -> ()
      "tpu.region"() ({
        %run_scoped3A = tpu.sem_alloc : memref<!tpu.dma_semaphore, #tpu.memory_space<semaphore_mem>>
        %dma_start3A = arith.constant 0 : i32
        %dma_start3A_290 = tpu.memref_slice %arg7[%dma_start3A] : memref<10240xf32, #tpu.memory_space<vmem_shared>> -> memref<10240xf32, #tpu.memory_space<vmem_shared>>
        tpu.enqueue_indirect_dma source(%arg5 : memref<80xf32, #tpu.memory_space<vmem>>) target(%dma_start3A_290 : memref<10240xf32, #tpu.memory_space<vmem_shared>>) offsets(%arg4 : memref<80xi32, #tpu.memory_space<vmem>>) semaphore(%run_scoped3A : memref<!tpu.dma_semaphore, #tpu.memory_space<semaphore_mem>>) {add = true}
        %dma_wait3A = arith.constant 0 : i32
        %dma_wait3A_291 = tpu.memref_slice %arg7[%dma_wait3A] : memref<10240xf32, #tpu.memory_space<vmem_shared>> -> memref<10240xf32, #tpu.memory_space<vmem_shared>>
        tpu.wait_indirect_dma semaphore(%run_scoped3A : memref<!tpu.dma_semaphore, #tpu.memory_space<semaphore_mem>>) src(%arg5 : memref<80xf32, #tpu.memory_space<vmem>>) dst(%dma_wait3A_291 : memref<10240xf32, #tpu.memory_space<vmem_shared>>)
        tpu.yield
      }) : () -> ()
    }
    %scan3A_275 = arith.constant 125 : i32
    %barrier3A_276 = arith.constant 0 : index
    tpu.barrier barrier_id(%barrier3A_276)
    %mul3A_277 = arith.constant 640 : i32
    %mul3A_278 = arith.muli %arg1, %mul3A_277 : i32
    %mul3A_279 = arith.constant 10240 : i32
    %mul3A_280 = arith.muli %arg0, %mul3A_279 : i32
    %mul3A_281 = arith.constant 640 : i32
    %mul3A_282 = arith.muli %arg1, %mul3A_281 : i32
    %add3A_283 = arith.addi %mul3A_280, %mul3A_282 : i32
    "tpu.region"() ({
      %run_scoped3A = tpu.sem_alloc : memref<!tpu.dma_semaphore, #tpu.memory_space<semaphore_mem>>
      %dma_start3A = tpu.memref_slice %arg3[%add3A_283] : memref<20480xf32, #tpu.memory_space<hbm>> -> memref<640xf32, #tpu.memory_space<hbm>>
      %dma_start3A_284 = tpu.memref_slice %arg7[%mul3A_278] : memref<10240xf32, #tpu.memory_space<vmem_shared>> -> memref<640xf32, #tpu.memory_space<vmem_shared>>
      tpu.enqueue_dma source(%dma_start3A_284 : memref<640xf32, #tpu.memory_space<vmem_shared>>) target(%dma_start3A : memref<640xf32, #tpu.memory_space<hbm>>) target_semaphore(%run_scoped3A : memref<!tpu.dma_semaphore, #tpu.memory_space<semaphore_mem>>)
      %dma_wait3A = tpu.memref_slice %arg3[%add3A_283] : memref<20480xf32, #tpu.memory_space<hbm>> -> memref<640xf32, #tpu.memory_space<hbm>>
      %dma_wait3A_285 = tpu.memref_slice %arg7[%mul3A_278] : memref<10240xf32, #tpu.memory_space<vmem_shared>> -> memref<640xf32, #tpu.memory_space<vmem_shared>>
      tpu.wait_dma2 semaphore(%run_scoped3A : memref<!tpu.dma_semaphore, #tpu.memory_space<semaphore_mem>>) src(%dma_wait3A_285 : memref<640xf32, #tpu.memory_space<vmem_shared>>) dst(%dma_wait3A : memref<640xf32, #tpu.memory_space<hbm>>)
      tpu.yield
    }) : () -> ()
    return
  }
}

module attributes {stable_mosaic.version = 14 : i64} {
  func.func @_mm1_body(%arg0: i32, %arg1: memref<1000x2xf32, #tpu.memory_space<vmem>>, %arg2: memref<1000x128xf32, #tpu.memory_space<vmem>>, %arg3: memref<128x128xf32, #tpu.memory_space<vmem>>, %arg4: memref<1000x128xf32, #tpu.memory_space<vmem>>, %arg5: memref<1000x1xf32, #tpu.memory_space<vmem>>) attributes {dimension_semantics = [#tpu.dimension_semantics<arbitrary>], iteration_bounds = array<i64: 10>, scalar_prefetch = 0 : i64, scratch_operands = 0 : i64, tpu.core_type = #tpu.core_type<tc>, window_params = [{transform_indices = @transform_0, window_bounds = array<i64: 1000, 2>}, {transform_indices = @transform_1, window_bounds = array<i64: 1000, 128>}, {pipeline_mode = #tpu.pipeline_mode<synchronous>, transform_indices = @transform_2, window_bounds = array<i64: 128, 128>}, {transform_indices = @transform_3, window_bounds = array<i64: 1000, 128>}, {transform_indices = @transform_4, window_bounds = array<i64: 1000, 1>}]} {
    %get3A = arith.constant 0 : index
    %get3A_0 = arith.constant 0 : index
    %get3A_1 = vector.load %arg1[%get3A, %get3A_0] : memref<1000x2xf32, #tpu.memory_space<vmem>>, vector<1000x2xf32>
    %slice3A = vector.extract_strided_slice %get3A_1 {offsets = [0, 0], sizes = [1000, 1], strides = [1, 1]} : vector<1000x2xf32> to vector<1000x1xf32>
    %slice3A_2 = vector.extract_strided_slice %get3A_1 {offsets = [0, 1], sizes = [1000, 1], strides = [1, 1]} : vector<1000x2xf32> to vector<1000x1xf32>
    %add3A = arith.addf %slice3A, %slice3A_2 : vector<1000x1xf32>
    %add3A_3 = arith.constant 1.000000e+00 : f32
    %add3A_4 = vector.broadcast %add3A_3 : f32 to vector<1000x1xf32>
    %add3A_5 = arith.addf %add3A, %add3A_4 : vector<1000x1xf32>
    %rsqrt3A = math.rsqrt %add3A_5 : vector<1000x1xf32>
    %get3A_6 = arith.constant 0 : index
    %get3A_7 = arith.constant 0 : index
    %get3A_8 = vector.load %arg2[%get3A_6, %get3A_7] : memref<1000x128xf32, #tpu.memory_space<vmem>>, vector<1000x128xf32>
    %get3A_9 = arith.constant 0 : index
    %get3A_10 = arith.constant 0 : index
    %get3A_11 = vector.load %arg3[%get3A_9, %get3A_10] : memref<128x128xf32, #tpu.memory_space<vmem>>, vector<128x128xf32>
    %dot_general3A = arith.constant dense<0.000000e+00> : vector<1000x128xf32>
    %dot_general3A_12 = tpu.matmul %get3A_8, %get3A_11, %dot_general3A {dimension_numbers = #tpu.dot_dimension_numbers<[1], [0], [0], [1], [0, 0, 1, 1], [], []>, transpose_lhs_hint = false} : vector<1000x128xf32>, vector<128x128xf32>, vector<1000x128xf32> -> vector<1000x128xf32>
    %mul3A = vector.broadcast %rsqrt3A : vector<1000x1xf32> to vector<1000x128xf32>
    %mul3A_13 = arith.mulf %dot_general3A_12, %mul3A : vector<1000x128xf32>
    %swap3A = arith.constant 0 : index
    %swap3A_14 = arith.constant 0 : index
    %swap3A_15 = vector.load %arg4[%swap3A, %swap3A_14] : memref<1000x128xf32, #tpu.memory_space<vmem>>, vector<1000x128xf32>
    tpu.vector_store %arg4[%swap3A, %swap3A_14], %mul3A_13 {strides = array<i32>} : memref<1000x128xf32, #tpu.memory_space<vmem>>, vector<1000x128xf32>,
    %swap3A_16 = arith.constant 0 : index
    %swap3A_17 = arith.constant 0 : index
    %swap3A_18 = vector.load %arg5[%swap3A_16, %swap3A_17] : memref<1000x1xf32, #tpu.memory_space<vmem>>, vector<1000x1xf32>
    tpu.vector_store %arg5[%swap3A_16, %swap3A_17], %rsqrt3A {strides = array<i32>} : memref<1000x1xf32, #tpu.memory_space<vmem>>, vector<1000x1xf32>,
    return
  }
  func.func @transform_0(%arg0: i32) -> (i32, i32) {
    %c0_i32 = arith.constant 0 : i32
    %c0_i32_0 = arith.constant 0 : i32
    return %arg0, %c0_i32 : i32, i32
  }
  func.func @transform_1(%arg0: i32) -> (i32, i32) {
    %c0_i32 = arith.constant 0 : i32
    %c0_i32_0 = arith.constant 0 : i32
    return %arg0, %c0_i32 : i32, i32
  }
  func.func @transform_2(%arg0: i32) -> (i32, i32) {
    %c0_i32 = arith.constant 0 : i32
    %c0_i32_0 = arith.constant 0 : i32
    %c0_i32_1 = arith.constant 0 : i32
    return %c0_i32, %c0_i32_0 : i32, i32
  }
  func.func @transform_3(%arg0: i32) -> (i32, i32) {
    %c0_i32 = arith.constant 0 : i32
    %c0_i32_0 = arith.constant 0 : i32
    return %arg0, %c0_i32 : i32, i32
  }
  func.func @transform_4(%arg0: i32) -> (i32, i32) {
    %c0_i32 = arith.constant 0 : i32
    %c0_i32_0 = arith.constant 0 : i32
    return %arg0, %c0_i32 : i32, i32
  }
}

module attributes {stable_mosaic.version = 14 : i64} {
  func.func @_combine_body(%arg0: i32, %arg1: memref<1000x1xf32, #tpu.memory_space<vmem>>, %arg2: memref<1000x128xf32, #tpu.memory_space<vmem>>, %arg3: memref<1000x128xf32, #tpu.memory_space<vmem>>, %arg4: memref<1000x128xf32, #tpu.memory_space<vmem>>, %arg5: memref<1x128xf32, #tpu.memory_space<vmem>>, %arg6: memref<128x64xf32, #tpu.memory_space<vmem>>, %arg7: memref<1000x64xf32, #tpu.memory_space<vmem>>) attributes {dimension_semantics = [#tpu.dimension_semantics<arbitrary>], iteration_bounds = array<i64: 10>, scalar_prefetch = 0 : i64, scratch_operands = 0 : i64, tpu.core_type = #tpu.core_type<tc>, window_params = [{transform_indices = @transform_0, window_bounds = array<i64: 1000, 1>}, {transform_indices = @transform_1, window_bounds = array<i64: 1000, 128>}, {transform_indices = @transform_2, window_bounds = array<i64: 1000, 128>}, {transform_indices = @transform_3, window_bounds = array<i64: 1000, 128>}, {pipeline_mode = #tpu.pipeline_mode<synchronous>, transform_indices = @transform_4, window_bounds = array<i64: 1, 128>}, {pipeline_mode = #tpu.pipeline_mode<synchronous>, transform_indices = @transform_5, window_bounds = array<i64: 128, 64>}, {transform_indices = @transform_6, window_bounds = array<i64: 1000, 64>}]} {
    %get3A = arith.constant 0 : index
    %get3A_0 = arith.constant 0 : index
    %get3A_1 = vector.load %arg1[%get3A, %get3A_0] : memref<1000x1xf32, #tpu.memory_space<vmem>>, vector<1000x1xf32>
    %get3A_2 = arith.constant 0 : index
    %get3A_3 = arith.constant 0 : index
    %get3A_4 = vector.load %arg2[%get3A_2, %get3A_3] : memref<1000x128xf32, #tpu.memory_space<vmem>>, vector<1000x128xf32>
    %get3A_5 = arith.constant 0 : index
    %get3A_6 = arith.constant 0 : index
    %get3A_7 = vector.load %arg3[%get3A_5, %get3A_6] : memref<1000x128xf32, #tpu.memory_space<vmem>>, vector<1000x128xf32>
    %add3A = arith.addf %get3A_4, %get3A_7 : vector<1000x128xf32>
    %get3A_8 = arith.constant 0 : index
    %get3A_9 = arith.constant 0 : index
    %get3A_10 = vector.load %arg4[%get3A_8, %get3A_9] : memref<1000x128xf32, #tpu.memory_space<vmem>>, vector<1000x128xf32>
    %add3A_11 = arith.addf %add3A, %get3A_10 : vector<1000x128xf32>
    %mul3A = vector.broadcast %get3A_1 : vector<1000x1xf32> to vector<1000x128xf32>
    %mul3A_12 = arith.mulf %mul3A, %add3A_11 : vector<1000x128xf32>
    %get3A_13 = arith.constant 0 : index
    %get3A_14 = arith.constant 0 : index
    %get3A_15 = vector.load %arg5[%get3A_13, %get3A_14] : memref<1x128xf32, #tpu.memory_space<vmem>>, vector<1x128xf32>
    %add3A_16 = vector.broadcast %get3A_15 : vector<1x128xf32> to vector<1000x128xf32>
    %add3A_17 = arith.addf %mul3A_12, %add3A_16 : vector<1000x128xf32>
    %max3A = arith.constant 0.000000e+00 : f32
    %max3A_18 = vector.broadcast %max3A : f32 to vector<1000x128xf32>
    %max3A_19 = arith.maximumf %add3A_17, %max3A_18 : vector<1000x128xf32>
    %get3A_20 = arith.constant 0 : index
    %get3A_21 = arith.constant 0 : index
    %get3A_22 = vector.load %arg6[%get3A_20, %get3A_21] : memref<128x64xf32, #tpu.memory_space<vmem>>, vector<128x64xf32>
    %dot_general3A = arith.constant dense<0.000000e+00> : vector<1000x64xf32>
    %dot_general3A_23 = tpu.matmul %max3A_19, %get3A_22, %dot_general3A {dimension_numbers = #tpu.dot_dimension_numbers<[1], [0], [0], [1], [0, 0, 1, 1], [], []>, transpose_lhs_hint = false} : vector<1000x128xf32>, vector<128x64xf32>, vector<1000x64xf32> -> vector<1000x64xf32>
    %mul3A_24 = vector.broadcast %get3A_1 : vector<1000x1xf32> to vector<1000x64xf32>
    %mul3A_25 = arith.mulf %dot_general3A_23, %mul3A_24 : vector<1000x64xf32>
    %swap3A = arith.constant 0 : index
    %swap3A_26 = arith.constant 0 : index
    %swap3A_27 = vector.load %arg7[%swap3A, %swap3A_26] : memref<1000x64xf32, #tpu.memory_space<vmem>>, vector<1000x64xf32>
    tpu.vector_store %arg7[%swap3A, %swap3A_26], %mul3A_25 {strides = array<i32>} : memref<1000x64xf32, #tpu.memory_space<vmem>>, vector<1000x64xf32>,
    return
  }
  func.func @transform_0(%arg0: i32) -> (i32, i32) {
    %c0_i32 = arith.constant 0 : i32
    %c0_i32_0 = arith.constant 0 : i32
    return %arg0, %c0_i32 : i32, i32
  }
  func.func @transform_1(%arg0: i32) -> (i32, i32) {
    %c0_i32 = arith.constant 0 : i32
    %c0_i32_0 = arith.constant 0 : i32
    return %arg0, %c0_i32 : i32, i32
  }
  func.func @transform_2(%arg0: i32) -> (i32, i32) {
    %c0_i32 = arith.constant 0 : i32
    %c0_i32_0 = arith.constant 0 : i32
    return %arg0, %c0_i32 : i32, i32
  }
  func.func @transform_3(%arg0: i32) -> (i32, i32) {
    %c0_i32 = arith.constant 0 : i32
    %c0_i32_0 = arith.constant 0 : i32
    return %arg0, %c0_i32 : i32, i32
  }
  func.func @transform_4(%arg0: i32) -> (i32, i32) {
    %c0_i32 = arith.constant 0 : i32
    %c0_i32_0 = arith.constant 0 : i32
    %c0_i32_1 = arith.constant 0 : i32
    return %c0_i32, %c0_i32_0 : i32, i32
  }
  func.func @transform_5(%arg0: i32) -> (i32, i32) {
    %c0_i32 = arith.constant 0 : i32
    %c0_i32_0 = arith.constant 0 : i32
    %c0_i32_1 = arith.constant 0 : i32
    return %c0_i32, %c0_i32_0 : i32, i32
  }
  func.func @transform_6(%arg0: i32) -> (i32, i32) {
    %c0_i32 = arith.constant 0 : i32
    %c0_i32_0 = arith.constant 0 : i32
    return %arg0, %c0_i32 : i32, i32
  }
}

module attributes {stable_mosaic.version = 14 : i64} {
  func.func @_final_body(%arg0: i32, %arg1: memref<1000x1xf32, #tpu.memory_space<vmem>>, %arg2: memref<1000x64xf32, #tpu.memory_space<vmem>>, %arg3: memref<1000x64xf32, #tpu.memory_space<vmem>>, %arg4: memref<1000x64xf32, #tpu.memory_space<vmem>>, %arg5: memref<1x64xf32, #tpu.memory_space<vmem>>, %arg6: memref<1000x64xf32, #tpu.memory_space<vmem>>) attributes {dimension_semantics = [#tpu.dimension_semantics<arbitrary>], iteration_bounds = array<i64: 10>, scalar_prefetch = 0 : i64, scratch_operands = 0 : i64, tpu.core_type = #tpu.core_type<tc>, window_params = [{transform_indices = @transform_0, window_bounds = array<i64: 1000, 1>}, {transform_indices = @transform_1, window_bounds = array<i64: 1000, 64>}, {transform_indices = @transform_2, window_bounds = array<i64: 1000, 64>}, {transform_indices = @transform_3, window_bounds = array<i64: 1000, 64>}, {pipeline_mode = #tpu.pipeline_mode<synchronous>, transform_indices = @transform_4, window_bounds = array<i64: 1, 64>}, {transform_indices = @transform_5, window_bounds = array<i64: 1000, 64>}]} {
    %get3A = arith.constant 0 : index
    %get3A_0 = arith.constant 0 : index
    %get3A_1 = vector.load %arg1[%get3A, %get3A_0] : memref<1000x1xf32, #tpu.memory_space<vmem>>, vector<1000x1xf32>
    %get3A_2 = arith.constant 0 : index
    %get3A_3 = arith.constant 0 : index
    %get3A_4 = vector.load %arg2[%get3A_2, %get3A_3] : memref<1000x64xf32, #tpu.memory_space<vmem>>, vector<1000x64xf32>
    %get3A_5 = arith.constant 0 : index
    %get3A_6 = arith.constant 0 : index
    %get3A_7 = vector.load %arg3[%get3A_5, %get3A_6] : memref<1000x64xf32, #tpu.memory_space<vmem>>, vector<1000x64xf32>
    %add3A = arith.addf %get3A_4, %get3A_7 : vector<1000x64xf32>
    %get3A_8 = arith.constant 0 : index
    %get3A_9 = arith.constant 0 : index
    %get3A_10 = vector.load %arg4[%get3A_8, %get3A_9] : memref<1000x64xf32, #tpu.memory_space<vmem>>, vector<1000x64xf32>
    %add3A_11 = arith.addf %add3A, %get3A_10 : vector<1000x64xf32>
    %mul3A = vector.broadcast %get3A_1 : vector<1000x1xf32> to vector<1000x64xf32>
    %mul3A_12 = arith.mulf %mul3A, %add3A_11 : vector<1000x64xf32>
    %get3A_13 = arith.constant 0 : index
    %get3A_14 = arith.constant 0 : index
    %get3A_15 = vector.load %arg5[%get3A_13, %get3A_14] : memref<1x64xf32, #tpu.memory_space<vmem>>, vector<1x64xf32>
    %add3A_16 = vector.broadcast %get3A_15 : vector<1x64xf32> to vector<1000x64xf32>
    %add3A_17 = arith.addf %mul3A_12, %add3A_16 : vector<1000x64xf32>
    %swap3A = arith.constant 0 : index
    %swap3A_18 = arith.constant 0 : index
    %swap3A_19 = vector.load %arg6[%swap3A, %swap3A_18] : memref<1000x64xf32, #tpu.memory_space<vmem>>, vector<1000x64xf32>
    tpu.vector_store %arg6[%swap3A, %swap3A_18], %add3A_17 {strides = array<i32>} : memref<1000x64xf32, #tpu.memory_space<vmem>>, vector<1000x64xf32>,
    return
  }
  func.func @transform_0(%arg0: i32) -> (i32, i32) {
    %c0_i32 = arith.constant 0 : i32
    %c0_i32_0 = arith.constant 0 : i32
    return %arg0, %c0_i32 : i32, i32
  }
  func.func @transform_1(%arg0: i32) -> (i32, i32) {
    %c0_i32 = arith.constant 0 : i32
    %c0_i32_0 = arith.constant 0 : i32
    return %arg0, %c0_i32 : i32, i32
  }
  func.func @transform_2(%arg0: i32) -> (i32, i32) {
    %c0_i32 = arith.constant 0 : i32
    %c0_i32_0 = arith.constant 0 : i32
    return %arg0, %c0_i32 : i32, i32
  }
  func.func @transform_3(%arg0: i32) -> (i32, i32) {
    %c0_i32 = arith.constant 0 : i32
    %c0_i32_0 = arith.constant 0 : i32
    return %arg0, %c0_i32 : i32, i32
  }
  func.func @transform_4(%arg0: i32) -> (i32, i32) {
    %c0_i32 = arith.constant 0 : i32
    %c0_i32_0 = arith.constant 0 : i32
    %c0_i32_1 = arith.constant 0 : i32
    return %c0_i32, %c0_i32_0 : i32, i32
  }
  func.func @transform_5(%arg0: i32) -> (i32, i32) {
    %c0_i32 = arith.constant 0 : i32
    %c0_i32_0 = arith.constant 0 : i32
    return %arg0, %c0_i32 : i32, i32
  }
}

</mosaic_0001>

<sc_bundles>
// kernel: kernel.11.cloned.1.call-start
scs
__scs_entry_jumppad:
0x0: {  	(pc) =	sbr.rel $0x88, $3  }
0x1: {  	(tag) =	ssettag $0x0;
	lr =	simm.s32 $0x1  }
0x2: {  	[smem:$0x3F9B] =	sst lr;
	_ =	strace $0xD0000000  }
0x3: {  	_ = 	snop  }
0x4: {  	_ = 	snop  }
0x5: {  	_ = 	snop  }
0x6: {  	_ = 	snop  }
0x7: {  	_ = 	snop  }
__scs_overlays_trampoline_lowered:
0x8: {  	[smem:$0x3FAA] =	sst s0  }
0x9: {  	[smem:$0x3FAB] =	sst s1  }
0xa: {  	[smem:$0x3FAC] =	sst s2  }
0xb: {  	[smem:$0x3FAD] =	sst s3  }
0xc: {  	[smem:$0x3FAE] =	sst s4  }
0xd: {  	[smem:$0x3FAF] =	sst s5  }
0xe: {  	[smem:$0x3FB0] =	sst s6  }
0xf: {  	[smem:$0x3FB1] =	sst s7  }
0x10: {  	[smem:$0x3FB2] =	sst s8  }
0x11: {  	[smem:$0x3FB3] =	sst s9;
	s0 =	simm.s32 @!p0 $0x0  }
0x12: {  	s1 =	sld [smem:$0x3F99];
	s0 =	simm.s32 @p0 $0x1  }
0x13: {  	[smem:$0x3FB4] =	sst s0;
	s0 =	simm.s32 @!p1 $0x0  }
0x14: {  	s2 =	sld [smem:$0x3F98];
	s0 =	simm.s32 @p1 $0x1  }
0x15: {  	[smem:$0x3FB5] =	sst s0;
	s0 =	simm.s32 @!p2 $0x0  }
0x16: {  	s3 =	sld [smem:$0x3FDB];
	s0 =	simm.s32 @p2 $0x1  }
0x17: {  	s4 =	simm.s32 $0x1BF5;
	[smem:$0x3FB7] =	sst s0  }
0x18: {  	s0 =	sld [smem:$0x3F9A];
	_ =	swait.ge [sflag:s4], $0x0  }
0x19: {  	s7 =	sld [smem:$0x3F9B]  }
0x1a: {  	s8 =	sadd.s32 $0xFFFFE003, lr  }
0x1b: {  	s9 =	sadd.s32 $0xFFFFFEF7, lr;
	s5 =	simm.s32 $0xFFFFFFFF;
	p2 =	slt.u32 s8, $0xFFFFF086  }
0x1c: {  	p1 =	slt.u32 s9, $0xF7A;
	s5 =	simm.s32 @!p2 $0x0  }
0x1d: {  	s5 =	simm.s32 @p1 $0x1;
	p0 =	seq.s32 s7, s2  }
0x1e: {  	s7 =	smul.u32 @!p0 $0xF7A, s2;
	p2 =	seq.s32 @!p0 s5, $0x0  }
0x1f: {  	s9 =	smul.u32 $0xF7A, s1;
	s8 =	simm.s32 @!p0 $0x1BF5;
	p2 =	por !p2, p0  }
0x20: {  	[sflag:s8] =	ssyncset.s32 @!p0 $0xFFFFF086;
	s6 =	sadd.s32 @!p0 s3, s7;
	s7 =	simm.s32 @!p0 $0x108  }
0x21: {  	s3 =	sadd.s32 s3, s9;
	s6 =	sadd.s32 @!p0 $0x88, s6;
	s7 =	simm.s32 @p2 $0x1082  }
0x22: {  	[simem:s7], [sflag:s8] =	dma.local @!p0 [hbm:s6], $0xF7A  }
0x23: {  	s9 =	sor.u32 $0xD0000000, s2;
	s6 =	simm.s32 $0x108;
	_ =	swait.ge @!p0 [sflag:s8], $0x0  }
0x24: {  	s3 =	sadd.s32 $0x88, s3;
	s6 =	simm.s32 @!p1 $0x1082;
	[sflag:s4] =	ssyncset.s32 $0xFFFFF086  }
0x25: {  	[simem:s6], [sflag:s4] =	dma.local [hbm:s3], $0xF7A  }
0x26: {  	[smem:$0x3F9B] =	sst s1;
	(tag) =	ssettag s2;
	_ =	strace s9  }
0x27: {  	s1 =	sld [smem:$0x3FAB]  }
0x28: {  	s2 =	sld [smem:$0x3FAC]  }
0x29: {  	s4 =	sld [smem:$0x3FAE]  }
0x2a: {  	p0 =	seq.s32 s5, $0x0;
	s5 =	sld [smem:$0x3FAF]  }
0x2b: {  	s6 =	sld [smem:$0x3FB0]  }
0x2c: {  	s7 =	sld [smem:$0x3FB1]  }
0x2d: {  	s3 =	simm.s32 $0x108;
	s8 =	sld [smem:$0x3FB2]  }
0x2e: {  	s3 =	simm.s32 @!p0 $0x1082;
	s9 =	sld [smem:$0x3FB3]  }
0x2f: {  	lr =	sadd.s32 s0, s3;
	s0 =	sld [smem:$0x3FAA]  }
0x30: {  	s3 =	sld [smem:$0x3FAD]  }
0x31: {  	[smem:$0x3FB6] =	sst s10  }
0x32: {  	s10 =	sld [smem:$0x3FB4];
	_ =	sdelay $0x3  }
0x33: {  	p0 =	seq.s32 s10, $0x1;
	s10 =	sld [smem:$0x3FB6];
	_ =	sdelay $0x3  }
0x34: {  	[smem:$0x3FB6] =	sst s10  }
0x35: {  	s10 =	sld [smem:$0x3FB5];
	_ =	sdelay $0x3  }
0x36: {  	p1 =	seq.s32 s10, $0x1;
	s10 =	sld [smem:$0x3FB6];
	_ =	sdelay $0x3  }
0x37: {  	[smem:$0x3FB6] =	sst s10  }
0x38: {  	s10 =	sld [smem:$0x3FB7]  }
0x39: {  	_ = 	snop;
	(pc) =	sbr.ind lr, $3  }
0x3a: {  	_ = 	snop  }
0x3b: {  	_ = 	snop  }
0x3c: {  	p2 =	seq.s32 s10, $0x1;
	s10 =	sld [smem:$0x3FB6]  }
0x3d: {  	_ =	shalt  }
0x3e: {  	_ =	shalt  }
0x3f: {  	_ =	shalt  }
0x40: {  	_ =	shalt  }
0x41: {  	_ =	shalt  }
0x42: {  	_ =	shalt  }
0x43: {  	_ =	shalt  }
0x44: {  	_ =	shalt  }
0x45: {  	_ =	shalt  }
0x46: {  	_ =	shalt  }
0x47: {  	_ =	shalt  }
0x48: {  	_ =	shalt  }
0x49: {  	_ =	shalt  }
0x4a: {  	_ =	shalt  }
0x4b: {  	_ =	shalt  }
0x4c: {  	_ =	shalt  }
0x4d: {  	_ =	shalt  }
0x4e: {  	_ =	shalt  }
0x4f: {  	_ =	shalt  }
0x50: {  	_ =	shalt  }
0x51: {  	_ =	shalt  }
0x52: {  	_ =	shalt  }
0x53: {  	_ =	shalt  }
0x54: {  	_ =	shalt  }
0x55: {  	_ =	shalt  }
0x56: {  	_ =	shalt  }
0x57: {  	_ =	shalt  }
0x58: {  	_ =	shalt  }
0x59: {  	_ =	shalt  }
0x5a: {  	_ =	shalt  }
0x5b: {  	_ =	shalt  }
0x5c: {  	_ =	shalt  }
0x5d: {  	_ =	shalt  }
0x5e: {  	_ =	shalt  }
0x5f: {  	_ =	shalt  }
0x60: {  	_ =	shalt  }
0x61: {  	_ =	shalt  }
0x62: {  	_ =	shalt  }
0x63: {  	_ =	shalt  }
0x64: {  	_ =	shalt  }
0x65: {  	_ =	shalt  }
0x66: {  	_ =	shalt  }
0x67: {  	_ =	shalt  }
0x68: {  	_ =	shalt  }
0x69: {  	_ =	shalt  }
0x6a: {  	_ =	shalt  }
0x6b: {  	_ =	shalt  }
0x6c: {  	_ =	shalt  }
0x6d: {  	_ =	shalt  }
0x6e: {  	_ =	shalt  }
0x6f: {  	_ =	shalt  }
0x70: {  	_ =	shalt  }
0x71: {  	_ =	shalt  }
0x72: {  	_ =	shalt  }
0x73: {  	_ =	shalt  }
0x74: {  	_ =	shalt  }
0x75: {  	_ =	shalt  }
0x76: {  	_ =	shalt  }
0x77: {  	_ =	shalt  }
0x78: {  	_ =	shalt  }
0x79: {  	_ =	shalt  }
0x7a: {  	_ =	shalt  }
0x7b: {  	_ =	shalt  }
0x7c: {  	_ =	shalt  }
0x7d: {  	_ =	shalt  }
0x7e: {  	_ =	shalt  }
0x7f: {  	_ =	shalt  }
0x80: {  	_ =	shalt  }
0x81: {  	_ =	shalt  }
0x82: {  	_ =	shalt  }
0x83: {  	_ =	shalt  }
0x84: {  	_ =	shalt  }
0x85: {  	_ =	shalt  }
0x86: {  	_ =	shalt  }
0x87: {  	_ =	shalt  }
.Lfunc_end0:
.L_simem_size_0:
called_computation.1_lowered:
.L_overlay_start_0:
0x88: {  	s2 =	sld [smem:$0x3FD9]  }
0x89: {  	s3 =	sld [smem:$0x3FFE];
	_ =	sdelay $0x1  }
0x8a: {  	s1 =	srdreg.scid  }
0x8b: {  	s0 =	sand.u32 $0x1, s1  }
0x8c: {  	s14 =	sshll.u32 s0, $0xA;
	s2 =	sadd.s32 s3, s2  }
0x8d: {  	s2 =	sadd.s32 s2, s14  }
0x8e: {  	[smem:$0x3FC2] =	sst s2  }
0x8f: {  	_ = 	snop  }
0x90: {  	s2 =	sld [smem:$0x3FD0];
	_ =	sdelay $0x2  }
0x91: {  	s15 =	simm.s32 $0xA;
	s4 =	simm.s32 $0x10  }
0x92: {  	[smem:s4], [sflag:s15] =	dma.local [hbm:s2], $0x1  }
0x93: {  	_ =	swait.eq [sflag:s15], $0x1  }
0x94: {  	[sflag:s15] =	ssyncset.done $0x0  }
0x95: {  	s16 =	sld [smem:$0x10];
	[sflag:s15] =	ssyncadd.s32 $0xFFFFFFFF  }
0x96: {  	s17 =	sld [smem:$0x11];
	(tm) =	ssettm $0x1  }
0x97: {  	s18 =	sld [smem:$0x3FFB];
	_ =	sdelay $0x3  }
0x98: {  	_ =	strace s18  }
0x99: {  	s4 =	sld [smem:$0x3FFC];
	_ =	sdelay $0x3  }
0x9a: {  	_ =	strace s4  }
0x9b: {  	s4 =	sld [smem:$0x3FFD];
	_ =	sdelay $0x3  }
0x9c: {  	_ =	strace s4  }
0x9d: {  	_ =	strace $0x8FFFFFFF  }
0x9e: {  	s19 =	sld [smem:$0x3FDB];
	_ =	sdelay $0x1  }
0x9f: {  	s5 =	simm.s32 $_scs_section_size  }
0xa0: {  	s6 =	simm.s32 $_size__tile_overlayer_lowered;
	s7 =	simm.s32 $_tile_overlayer_lowered  }
0xa1: {  	s22 =	simm.s32 $0x1BFF;
	s21 =	sshll.u32 s7, $0x1;
	s4 =	sadd.s32 s5, s19  }
0xa2: {  	s8 =	simm.s32 $0x0;
	s20 =	sshll.u32 s6, $0x1;
	s6 =	sadd.s32 s21, s4  }
0xa3: {  	[timem:s8], [sflag:s22] =	dma.local [hbm:s6], s20  }
0xa4: {  	_ =	swait.ge [sflag:s22], s20  }
0xa5: {  	s5 =	ssub.s32 $0x0, s20;
	[sflag:s22] =	ssyncset.done $0x0  }
0xa6: {  	[sflag:s22] =	ssyncadd.s32 s5;
	_ =	sdelay $0x1  }
0xa7: {  	s23 =	simm.s32 $0x1B8B  }
0xa8: {  	_ =	swait.ge [sflag:s23], $0x1  }
0xa9: {  	[sflag:s23] =	ssyncset.done $0x0  }
0xaa: {  	s25 =	simm.s32 $0x1B8E;
	s24 =	sld [smem:$0x3FFE];
	[sflag:s23] =	ssyncadd.s32 $0xFFFFFFFF  }
0xab: {  	s26 =	simm.s32 $execute0_lowered;
	[smem:$0x3FD2] =	sst s25  }
0xac: {  	s6 =	sshll.u32 s26, $0x1;
	_ =	strace $0x80000049;
	[dreg:$0x1] =	wrdreg $0xFFFFFFFF  }
0xad: {  	s28 =	simm.s32 $_size_execute0_lowered;
	s4 =	sadd.s32 s4, s6;
	[dreg:$0x0] =	wrdreg $0x0  }
0xae: {  	s6 =	sshll.u32 s28, $0x1;
	[dreg:$0x2] =	wrdreg s4  }
0xaf: {  	[dreg:$0x3] =	wrdreg s6  }
0xb0: {  	[dreg:$0x4] =	wrdreg $0xC0  }
0xb1: {  	_ =	task [dreg:s8], $0x5FFFF  }
0xb2: {  	[dreg:$0x1] =	wrdreg $0xFFFFFFFF  }
0xb3: {  	[dreg:$0x0] =	wrdreg $0x60  }
0xb4: {  	[dreg:$0x2] =	wrdreg s17  }
0xb5: {  	[dreg:$0x3] =	wrdreg s24  }
0xb6: {  	[dreg:$0x4] =	wrdreg s16  }
0xb7: {  	[dreg:$0x5] =	wrdreg $0x29000  }
0xb8: {  	[dreg:$0x6] =	wrdreg $0x9  }
0xb9: {  	_ =	task.clear_ibuf [dreg:s8], $0x7FFFF;
	_ =	strace $0x90000049  }
0xba: {  	s29 =	simm.s32 $0x9;
	_ =	strace $0x8000004B  }
0xbb: {  	_ =	swait.ge [sflag:s29], $0x1  }
0xbc: {  	[sflag:s29] =	ssyncadd.s32 $0xFFFFFFFF  }
0xbd: {  	_ =	strace $0x9000004B  }
0xbe: {  	_ =	sfence  }
0xbf: {  	s30 =	sld [smem:$0x0];
	_ =	sdelay $0x2  }
0xc0: {  	s31 =	sshll.u32 s1, $0xD;
	s1 =	sshrl.u32 s1, $0x2  }
0xc1: {  	s3 =	sand.u32 $0x4000, s31;
	s1 =	sadd.s32 s1, s30  }
0xc2: {  	s0 =	sor.u32 s3, s0;
	s1 =	sshll.u32 s1, $0x11  }
0xc3: {  	s0 =	sor.u32 s1, s0  }
0xc4: {  	s0 =	sadd.s32 $0x8F2B, s0  }
0xc5: {  	[sflag:s0] =	ssyncadd.remote.s32 $0x1  }
0xc6: {  	_ =	sfence.sel $0xFFFF  }
0xc7: {  	[dreg:$0x0] =	wrdreg $0xFFFFFFFF;
	(pc) =	sbr.abs _section_cstart, $3  }
0xc8: {  	[dreg:$0x1] =	wrdreg $0xFFFFFFFF  }
0xc9: {  	_ =	task.clear_ibuf [dreg:s8], $0x2FFFF;
	_ =	strace $0x9FFFFFFF  }
0xca: {  	(tm) =	ssettm $0x7FFFFFFF  }
0xcb: {  	_ =	shalt  }
tec
execute0_lowered:
.L_overlay_start_1:
0x0: {  	(tag) =	ssettag $0x1  }
0x1: {  	s1 =	rddreg [dreg:$0x0]  }
0x2: {  	s6 =	rddreg [dreg:$0x1]  }
0x3: {  	s10 =	rddreg [dreg:$0x2]  }
0x4: {  	s2 =	srdreg.scid;
	s0 =	stileid.u32  }
0x5: {  	s3 =	rddreg [dreg:$0x3];
	s5 =	smul.u32 $0x4E20, s0  }
0x6: {  	s4 =	simm.s32 $0x0;
	s15 =	simm.s32 $0x100;
	s9 =	smul.u32 $0x2800, s0  }
0x7: {  	s16 =	simm.s32 $0x1;
	s7 =	sand.u32 $0x1, s2;
	s28 =	smul.u32 $0x50000, s0  }
0x8: {  	s17 =	simm.s32 $0x0;
	s2 =	rddreg [dreg:$0x4];
	s8 =	smul.u32 $0x2710, s7  }
0x9: {  	[smem:$0x7FF] =	sst s4;
	s11 =	smul.u32 $0x28000, s7;
	s7 =	ssub.s32 $0x2, s7  }
0xa: {  	s31 =	sshll.u32 s0, $0x6;
	_ =	strace $0x8000004A;
	s29 =	sshrl.u32 s7, $0x1  }
0xb: {  	s8 =	sadd.s32 s8, s5;
	s5 =	sadd.s32 $0xBE00, s6;
	s9 =	sadd.s32 s9, s11  }
0xc: {  	s30 =	ssub.s32 s7, s29;
	s12 =	sshrl.u32 s8, $0x3;
	s8 =	sshrl.u32 s28, $0x2  }
0xd: {  	s9 =	sadd.s32 s9, s6;
	s13 =	sadd.s32 s12, s6;
	s14 =	sadd.s32 s8, s3  }
0xe: {  	s6 =	sor.u32 $0x1C02, s31;
	s7 =	sadd.s32 $0x33000, s9;
	s8 =	smax.u32 s30, $0x1  }
0xf: {  	s10 =	sadd.s32 s12, s10;
	s12 =	simm.s32 $0x2;
	s9 =	sadd.s32 $0x2000, s13  }
0x10: {  	s11 =	sshrl.u32 s14, $0x3;
	s13 =	simm.s32 $0x80;
	s14 =	simm.s32 $0x50  }
.LBB2_1:
0x11: {  	[spmem:s11], [sflag:s6] =	dma.local [hbm:s1], $0x2800  }
0x12: {  	_ =	swait.ge [sflag:s12], $0x2800  }
0x13: {  	[sflag:s12] =	ssyncset.done $0x0  }
0x14: {  	[sflag:s12] =	ssyncadd.s32 $0xFFFFD800  }
0x15: {  	s18 =	sadd.s32 $0x0, s10;
	[bflag:$0x0] =	sbarrier.arrive $0xFFFF  }
0x16: {  	[tilespmem:s4], [sflag:$0x2] =	stream.linear.gather [hbm4b:s18+s4], $0x50, $0x38;
	[tilespmem:$0x16900] =	vst v63  }
0x17: {  	_ =	swait.ge [sflag:s12], $0x50  }
0x18: {  	[sflag:s12] =	ssyncset.done $0x0  }
0x19: {  	s31 =	sadd.s32 $0x0, s9;
	[sflag:s12] =	ssyncadd.s32 $0xFFFFFFB0  }
0x1a: {  	[tilespmem:s13], [sflag:$0x2] =	stream.linear.gather [hbm4b:s31+s4], $0x50, $0x38;
	[tilespmem:$0x16900] =	vst v63  }
0x1b: {  	_ =	swait.ge [sflag:s12], $0x50  }
0x1c: {  	[sflag:s12] =	ssyncset.done $0x0  }
0x1d: {  	[sflag:s12] =	ssyncadd.s32 $0xFFFFFFB0  }
0x1e: {  	[tilespmem:s15], [sflag:$0x1] =	stream.indirect.gather [hbm4b:s5+s14], $0x80, s4, s14, $0xb8;
	[tilespmem:$0x16900] =	vst v63  }
0x1f: {  	_ =	swait.ge [sflag:s16], $0x2800  }
0x20: {  	[sflag:s16] =	ssyncset.done $0x0  }
0x21: {  	[sflag:s16] =	ssyncadd.s32 $0xFFFFD800  }
0x22: {  	[spmem:s3] =	stream.indirect.scatter.add.f32 [tilespmem:s15], [sflag:$0x2], $0x80, s13, s14, $0xb8;
	[tilespmem:$0x16900] =	vst v63  }
0x23: {  	_ =	swait.ge [sflag:s12], $0x2800  }
0x24: {  	s19 =	simm.s32 $0x14;
	s18 =	simm.s32 $0xA;
	[sflag:s12] =	ssyncset.done $0x0  }
.LBB2_2:
0x25: {  	s20 =	sadd.s32 s18, s10  }
0x26: {  	[sflag:s12] =	ssyncadd.s32 $0xFFFFD800;
	s21 =	smov.u32 s19;
	s22 =	sadd.s32 $0xA, s19  }
0x27: {  	[tilespmem:s4], [sflag:$0x2] =	stream.linear.gather [hbm4b:s20+s4], $0x50, $0x38;
	[tilespmem:$0x16900] =	vst v63  }
0x28: {  	p0 =	sne.s32 s19, $0x4D8;
	_ =	swait.ge [sflag:s12], $0x50  }
0x29: {  	[sflag:s12] =	ssyncset.done $0x0  }
0x2a: {  	s19 =	sadd.s32 s18, s9;
	s18 =	smov.u32 s21;
	[sflag:s12] =	ssyncadd.s32 $0xFFFFFFB0  }
0x2b: {  	[tilespmem:s13], [sflag:$0x2] =	stream.linear.gather [hbm4b:s19+s4], $0x50, $0x38;
	[tilespmem:$0x16900] =	vst v63  }
0x2c: {  	_ =	swait.ge [sflag:s12], $0x50  }
0x2d: {  	[sflag:s12] =	ssyncset.done $0x0  }
0x2e: {  	[sflag:s12] =	ssyncadd.s32 $0xFFFFFFB0  }
0x2f: {  	[tilespmem:s15], [sflag:$0x1] =	stream.indirect.gather [hbm4b:s5+s14], $0x80, s4, s14, $0xb8;
	[tilespmem:$0x16900] =	vst v63  }
0x30: {  	_ =	swait.ge [sflag:s16], $0x2800  }
.Ltmp0:
0x31: {  	[sflag:s16] =	ssyncset.done $0x0;
	(pc) =	sbr.rel @p0 .LBB2_2-.Ltmp0, $4  }
0x32: {  	[sflag:s16] =	ssyncadd.s32 $0xFFFFD800  }
0x33: {  	[spmem:s3] =	stream.indirect.scatter.add.f32 [tilespmem:s15], [sflag:$0x2], $0x80, s13, s14, $0xb8;
	[tilespmem:$0x16900] =	vst v63  }
0x34: {  	_ =	swait.ge [sflag:s12], $0x2800  }
0x35: {  	s19 =	smov.u32 s22;
	[sflag:s12] =	ssyncset.done $0x0  }
0x36: {  	s19 =	sadd.s32 s18, s10;
	[sflag:s12] =	ssyncadd.s32 $0xFFFFD800  }
0x37: {  	[tilespmem:s4], [sflag:$0x2] =	stream.linear.gather [hbm4b:s19+s4], $0x50, $0x38;
	[tilespmem:$0x16900] =	vst v63  }
0x38: {  	_ =	swait.ge [sflag:s12], $0x50  }
0x39: {  	[sflag:s12] =	ssyncset.done $0x0  }
0x3a: {  	s31 =	sadd.s32 s18, s9;
	[sflag:s12] =	ssyncadd.s32 $0xFFFFFFB0  }
0x3b: {  	[tilespmem:s13], [sflag:$0x2] =	stream.linear.gather [hbm4b:s31+s4], $0x50, $0x38;
	[tilespmem:$0x16900] =	vst v63  }
0x3c: {  	_ =	swait.ge [sflag:s12], $0x50  }
0x3d: {  	[sflag:s12] =	ssyncset.done $0x0  }
0x3e: {  	[sflag:s12] =	ssyncadd.s32 $0xFFFFFFB0  }
0x3f: {  	[tilespmem:s15], [sflag:$0x1] =	stream.indirect.gather [hbm4b:s5+s14], $0x80, s4, s14, $0xb8;
	[tilespmem:$0x16900] =	vst v63  }
0x40: {  	_ =	swait.ge [sflag:s16], $0x2800  }
0x41: {  	[sflag:s16] =	ssyncset.done $0x0  }
0x42: {  	[sflag:s16] =	ssyncadd.s32 $0xFFFFD800  }
0x43: {  	[spmem:s3] =	stream.indirect.scatter.add.f32 [tilespmem:s15], [sflag:$0x2], $0x80, s13, s14, $0xb8;
	[tilespmem:$0x16900] =	vst v63  }
0x44: {  	_ =	swait.ge [sflag:s12], $0x2800  }
0x45: {  	s17 =	sadd.s32 $0x1, s17;
	[sflag:s12] =	ssyncset.done $0x0  }
0x46: {  	p0 =	sne.s32 s17, s8;
	[sflag:s12] =	ssyncadd.s32 $0xFFFFD800  }
.Ltmp1:
0x47: {  	[bflag:$0x0] =	sbarrier.arrive $0xFFFF;
	(pc) =	sbr.rel @p0 .LBB2_1-.Ltmp1, $4  }
0x48: {  	[hbm:s7], [sflag:s6] =	dma.local [spmem:s11], $0x2800  }
0x49: {  	_ =	swait.ge [sflag:s12], $0x2800  }
0x4a: {  	[sflag:s12] =	ssyncset.done $0x0  }
0x4b: {  	[sflag:s12] =	ssyncadd.s32 $0xFFFFD800  }
0x4c: {  	_ =	sfence.sel $0x180000  }
0x4d: {  	[bflag:$0x0] =	sbarrier.arrive $0xFFFF  }
0x4e: {  	p0 =	sne.s32 s0, $0x0;
	_ =	strace $0x9000004A  }
0x4f: {  	s0 =	sadd.s32 @!p0 $0x100000, s2;
	[bflag:$0x2] =	sbarrier.arrive $0xFFFF  }
0x50: {  	[sflag:s0] =	ssyncadd.tile.s32 @!p0 $0x1;
	_ =	shalt  }
.Lfunc_end2:
_tile_overlayer_lowered:
.L_overlay_start_2:
0x51: {  	(tag) =	ssettag $0x2  }
0x52: {  	s0 =	rddreg [dreg:$0x0];
	s2 =	stileid.u32  }
0x53: {  	s1 =	rddreg [dreg:$0x1];
	p0 =	sne.s32 s2, $0x0  }
0x54: {  	s3 =	rddreg [dreg:$0x2];
	[bflag:$0x3] =	sbarrier.arrive $0xFFFF;
	s2 =	simm.s32 @!p0 $0x1C02  }
0x55: {  	[timem:s3], [sflag:s2] =	dma.local @!p0 [hbm:s0], s1  }
0x56: {  	s0 =	simm.s32 @!p0 $0x2  }
0x57: {  	_ =	swait.ge @!p0 [sflag:s0], s1  }
0x58: {  	s1 =	ssub.s32 @!p0 $0x0, s1;
	[sflag:s0] =	ssyncset.done @!p0 $0x0  }
0x59: {  	[sflag:s0] =	ssyncadd.s32 @!p0 s1  }
0x5a: {  	[bflag:$0x3] =	sbarrier.arrive $0xFFFF  }
0x5b: {  	_ =	shalt  }

// kernel: kernel.14.cloned.1.call-start
scs
__scs_entry_jumppad:
0x0: {  	(pc) =	sbr.rel $0x88, $3  }
0x1: {  	(tag) =	ssettag $0x0;
	lr =	simm.s32 $0x1  }
0x2: {  	[smem:$0x3F9B] =	sst lr;
	_ =	strace $0xD0000000  }
0x3: {  	_ = 	snop  }
0x4: {  	_ = 	snop  }
0x5: {  	_ = 	snop  }
0x6: {  	_ = 	snop  }
0x7: {  	_ = 	snop  }
__scs_overlays_trampoline_lowered:
0x8: {  	[smem:$0x3FAA] =	sst s0  }
0x9: {  	[smem:$0x3FAB] =	sst s1  }
0xa: {  	[smem:$0x3FAC] =	sst s2  }
0xb: {  	[smem:$0x3FAD] =	sst s3  }
0xc: {  	[smem:$0x3FAE] =	sst s4  }
0xd: {  	[smem:$0x3FAF] =	sst s5  }
0xe: {  	[smem:$0x3FB0] =	sst s6  }
0xf: {  	[smem:$0x3FB1] =	sst s7  }
0x10: {  	[smem:$0x3FB2] =	sst s8  }
0x11: {  	[smem:$0x3FB3] =	sst s9;
	s0 =	simm.s32 @!p0 $0x0  }
0x12: {  	s1 =	sld [smem:$0x3F99];
	s0 =	simm.s32 @p0 $0x1  }
0x13: {  	[smem:$0x3FB4] =	sst s0;
	s0 =	simm.s32 @!p1 $0x0  }
0x14: {  	s2 =	sld [smem:$0x3F98];
	s0 =	simm.s32 @p1 $0x1  }
0x15: {  	[smem:$0x3FB5] =	sst s0;
	s0 =	simm.s32 @!p2 $0x0  }
0x16: {  	s3 =	sld [smem:$0x3FDB];
	s0 =	simm.s32 @p2 $0x1  }
0x17: {  	s4 =	simm.s32 $0x1BF5;
	[smem:$0x3FB7] =	sst s0  }
0x18: {  	s0 =	sld [smem:$0x3F9A];
	_ =	swait.ge [sflag:s4], $0x0  }
0x19: {  	s7 =	sld [smem:$0x3F9B]  }
0x1a: {  	s8 =	sadd.s32 $0xFFFFE003, lr  }
0x1b: {  	s9 =	sadd.s32 $0xFFFFFEF7, lr;
	s5 =	simm.s32 $0xFFFFFFFF;
	p2 =	slt.u32 s8, $0xFFFFF086  }
0x1c: {  	p1 =	slt.u32 s9, $0xF7A;
	s5 =	simm.s32 @!p2 $0x0  }
0x1d: {  	s5 =	simm.s32 @p1 $0x1;
	p0 =	seq.s32 s7, s2  }
0x1e: {  	s7 =	smul.u32 @!p0 $0xF7A, s2;
	p2 =	seq.s32 @!p0 s5, $0x0  }
0x1f: {  	s9 =	smul.u32 $0xF7A, s1;
	s8 =	simm.s32 @!p0 $0x1BF5;
	p2 =	por !p2, p0  }
0x20: {  	[sflag:s8] =	ssyncset.s32 @!p0 $0xFFFFF086;
	s6 =	sadd.s32 @!p0 s3, s7;
	s7 =	simm.s32 @!p0 $0x108  }
0x21: {  	s3 =	sadd.s32 s3, s9;
	s6 =	sadd.s32 @!p0 $0x88, s6;
	s7 =	simm.s32 @p2 $0x1082  }
0x22: {  	[simem:s7], [sflag:s8] =	dma.local @!p0 [hbm:s6], $0xF7A  }
0x23: {  	s9 =	sor.u32 $0xD0000000, s2;
	s6 =	simm.s32 $0x108;
	_ =	swait.ge @!p0 [sflag:s8], $0x0  }
0x24: {  	s3 =	sadd.s32 $0x88, s3;
	s6 =	simm.s32 @!p1 $0x1082;
	[sflag:s4] =	ssyncset.s32 $0xFFFFF086  }
0x25: {  	[simem:s6], [sflag:s4] =	dma.local [hbm:s3], $0xF7A  }
0x26: {  	[smem:$0x3F9B] =	sst s1;
	(tag) =	ssettag s2;
	_ =	strace s9  }
0x27: {  	s1 =	sld [smem:$0x3FAB]  }
0x28: {  	s2 =	sld [smem:$0x3FAC]  }
0x29: {  	s4 =	sld [smem:$0x3FAE]  }
0x2a: {  	p0 =	seq.s32 s5, $0x0;
	s5 =	sld [smem:$0x3FAF]  }
0x2b: {  	s6 =	sld [smem:$0x3FB0]  }
0x2c: {  	s7 =	sld [smem:$0x3FB1]  }
0x2d: {  	s3 =	simm.s32 $0x108;
	s8 =	sld [smem:$0x3FB2]  }
0x2e: {  	s3 =	simm.s32 @!p0 $0x1082;
	s9 =	sld [smem:$0x3FB3]  }
0x2f: {  	lr =	sadd.s32 s0, s3;
	s0 =	sld [smem:$0x3FAA]  }
0x30: {  	s3 =	sld [smem:$0x3FAD]  }
0x31: {  	[smem:$0x3FB6] =	sst s10  }
0x32: {  	s10 =	sld [smem:$0x3FB4];
	_ =	sdelay $0x3  }
0x33: {  	p0 =	seq.s32 s10, $0x1;
	s10 =	sld [smem:$0x3FB6];
	_ =	sdelay $0x3  }
0x34: {  	[smem:$0x3FB6] =	sst s10  }
0x35: {  	s10 =	sld [smem:$0x3FB5];
	_ =	sdelay $0x3  }
0x36: {  	p1 =	seq.s32 s10, $0x1;
	s10 =	sld [smem:$0x3FB6];
	_ =	sdelay $0x3  }
0x37: {  	[smem:$0x3FB6] =	sst s10  }
0x38: {  	s10 =	sld [smem:$0x3FB7]  }
0x39: {  	_ = 	snop;
	(pc) =	sbr.ind lr, $3  }
0x3a: {  	_ = 	snop  }
0x3b: {  	_ = 	snop  }
0x3c: {  	p2 =	seq.s32 s10, $0x1;
	s10 =	sld [smem:$0x3FB6]  }
0x3d: {  	_ =	shalt  }
0x3e: {  	_ =	shalt  }
0x3f: {  	_ =	shalt  }
0x40: {  	_ =	shalt  }
0x41: {  	_ =	shalt  }
0x42: {  	_ =	shalt  }
0x43: {  	_ =	shalt  }
0x44: {  	_ =	shalt  }
0x45: {  	_ =	shalt  }
0x46: {  	_ =	shalt  }
0x47: {  	_ =	shalt  }
0x48: {  	_ =	shalt  }
0x49: {  	_ =	shalt  }
0x4a: {  	_ =	shalt  }
0x4b: {  	_ =	shalt  }
0x4c: {  	_ =	shalt  }
0x4d: {  	_ =	shalt  }
0x4e: {  	_ =	shalt  }
0x4f: {  	_ =	shalt  }
0x50: {  	_ =	shalt  }
0x51: {  	_ =	shalt  }
0x52: {  	_ =	shalt  }
0x53: {  	_ =	shalt  }
0x54: {  	_ =	shalt  }
0x55: {  	_ =	shalt  }
0x56: {  	_ =	shalt  }
0x57: {  	_ =	shalt  }
0x58: {  	_ =	shalt  }
0x59: {  	_ =	shalt  }
0x5a: {  	_ =	shalt  }
0x5b: {  	_ =	shalt  }
0x5c: {  	_ =	shalt  }
0x5d: {  	_ =	shalt  }
0x5e: {  	_ =	shalt  }
0x5f: {  	_ =	shalt  }
0x60: {  	_ =	shalt  }
0x61: {  	_ =	shalt  }
0x62: {  	_ =	shalt  }
0x63: {  	_ =	shalt  }
0x64: {  	_ =	shalt  }
0x65: {  	_ =	shalt  }
0x66: {  	_ =	shalt  }
0x67: {  	_ =	shalt  }
0x68: {  	_ =	shalt  }
0x69: {  	_ =	shalt  }
0x6a: {  	_ =	shalt  }
0x6b: {  	_ =	shalt  }
0x6c: {  	_ =	shalt  }
0x6d: {  	_ =	shalt  }
0x6e: {  	_ =	shalt  }
0x6f: {  	_ =	shalt  }
0x70: {  	_ =	shalt  }
0x71: {  	_ =	shalt  }
0x72: {  	_ =	shalt  }
0x73: {  	_ =	shalt  }
0x74: {  	_ =	shalt  }
0x75: {  	_ =	shalt  }
0x76: {  	_ =	shalt  }
0x77: {  	_ =	shalt  }
0x78: {  	_ =	shalt  }
0x79: {  	_ =	shalt  }
0x7a: {  	_ =	shalt  }
0x7b: {  	_ =	shalt  }
0x7c: {  	_ =	shalt  }
0x7d: {  	_ =	shalt  }
0x7e: {  	_ =	shalt  }
0x7f: {  	_ =	shalt  }
0x80: {  	_ =	shalt  }
0x81: {  	_ =	shalt  }
0x82: {  	_ =	shalt  }
0x83: {  	_ =	shalt  }
0x84: {  	_ =	shalt  }
0x85: {  	_ =	shalt  }
0x86: {  	_ =	shalt  }
0x87: {  	_ =	shalt  }
.Lfunc_end0:
.L_simem_size_0:
called_computation.2_lowered:
.L_overlay_start_0:
0x88: {  	s2 =	sld [smem:$0x3FD9]  }
0x89: {  	s3 =	sld [smem:$0x3FFE];
	_ =	sdelay $0x1  }
0x8a: {  	s1 =	srdreg.scid  }
0x8b: {  	s0 =	sand.u32 $0x1, s1  }
0x8c: {  	s14 =	sshll.u32 s0, $0xA;
	s2 =	sadd.s32 s3, s2  }
0x8d: {  	s2 =	sadd.s32 s2, s14  }
0x8e: {  	[smem:$0x3FC2] =	sst s2  }
0x8f: {  	_ = 	snop  }
0x90: {  	s2 =	sld [smem:$0x3FD0];
	_ =	sdelay $0x2  }
0x91: {  	s15 =	simm.s32 $0xA;
	s4 =	simm.s32 $0x10  }
0x92: {  	[smem:s4], [sflag:s15] =	dma.local [hbm:s2], $0x1  }
0x93: {  	_ =	swait.eq [sflag:s15], $0x1  }
0x94: {  	[sflag:s15] =	ssyncset.done $0x0  }
0x95: {  	s16 =	sld [smem:$0x10];
	[sflag:s15] =	ssyncadd.s32 $0xFFFFFFFF  }
0x96: {  	s17 =	sld [smem:$0x11];
	(tm) =	ssettm $0x1  }
0x97: {  	s18 =	sld [smem:$0x3FFB];
	_ =	sdelay $0x3  }
0x98: {  	_ =	strace s18  }
0x99: {  	s4 =	sld [smem:$0x3FFC];
	_ =	sdelay $0x3  }
0x9a: {  	_ =	strace s4  }
0x9b: {  	s4 =	sld [smem:$0x3FFD];
	_ =	sdelay $0x3  }
0x9c: {  	_ =	strace s4  }
0x9d: {  	_ =	strace $0x8FFFFFFF  }
0x9e: {  	s19 =	sld [smem:$0x3FDB];
	_ =	sdelay $0x1  }
0x9f: {  	s5 =	simm.s32 $_scs_section_size  }
0xa0: {  	s6 =	simm.s32 $_size__tile_overlayer_lowered;
	s7 =	simm.s32 $_tile_overlayer_lowered  }
0xa1: {  	s22 =	simm.s32 $0x1BFF;
	s21 =	sshll.u32 s7, $0x1;
	s4 =	sadd.s32 s5, s19  }
0xa2: {  	s8 =	simm.s32 $0x0;
	s20 =	sshll.u32 s6, $0x1;
	s6 =	sadd.s32 s21, s4  }
0xa3: {  	[timem:s8], [sflag:s22] =	dma.local [hbm:s6], s20  }
0xa4: {  	_ =	swait.ge [sflag:s22], s20  }
0xa5: {  	s5 =	ssub.s32 $0x0, s20;
	[sflag:s22] =	ssyncset.done $0x0  }
0xa6: {  	[sflag:s22] =	ssyncadd.s32 s5;
	_ =	sdelay $0x1  }
0xa7: {  	s23 =	simm.s32 $0x1B8B  }
0xa8: {  	_ =	swait.ge [sflag:s23], $0x1  }
0xa9: {  	[sflag:s23] =	ssyncset.done $0x0  }
0xaa: {  	s25 =	simm.s32 $0x1B8E;
	s24 =	sld [smem:$0x3FFE];
	[sflag:s23] =	ssyncadd.s32 $0xFFFFFFFF  }
0xab: {  	s26 =	simm.s32 $execute0_lowered;
	[smem:$0x3FD2] =	sst s25  }
0xac: {  	s6 =	sshll.u32 s26, $0x1;
	_ =	strace $0x8000004C;
	[dreg:$0x1] =	wrdreg $0xFFFFFFFF  }
0xad: {  	s28 =	simm.s32 $_size_execute0_lowered;
	s4 =	sadd.s32 s4, s6;
	[dreg:$0x0] =	wrdreg $0x0  }
0xae: {  	s6 =	sshll.u32 s28, $0x1;
	[dreg:$0x2] =	wrdreg s4  }
0xaf: {  	[dreg:$0x3] =	wrdreg s6  }
0xb0: {  	[dreg:$0x4] =	wrdreg $0xC0  }
0xb1: {  	_ =	task [dreg:s8], $0x5FFFF  }
0xb2: {  	[dreg:$0x1] =	wrdreg $0xFFFFFFFF  }
0xb3: {  	[dreg:$0x0] =	wrdreg $0x60  }
0xb4: {  	[dreg:$0x2] =	wrdreg s24  }
0xb5: {  	[dreg:$0x3] =	wrdreg s17  }
0xb6: {  	[dreg:$0x4] =	wrdreg s16  }
0xb7: {  	[dreg:$0x5] =	wrdreg $0x14A00  }
0xb8: {  	[dreg:$0x6] =	wrdreg $0x9  }
0xb9: {  	_ =	task.clear_ibuf [dreg:s8], $0x7FFFF;
	_ =	strace $0x9000004C  }
0xba: {  	s29 =	simm.s32 $0x9;
	_ =	strace $0x8000004E  }
0xbb: {  	_ =	swait.ge [sflag:s29], $0x1  }
0xbc: {  	[sflag:s29] =	ssyncadd.s32 $0xFFFFFFFF  }
0xbd: {  	_ =	strace $0x9000004E  }
0xbe: {  	_ =	sfence  }
0xbf: {  	s30 =	sld [smem:$0x0];
	_ =	sdelay $0x2  }
0xc0: {  	s31 =	sshll.u32 s1, $0xD;
	s1 =	sshrl.u32 s1, $0x2  }
0xc1: {  	s3 =	sand.u32 $0x4000, s31;
	s1 =	sadd.s32 s1, s30  }
0xc2: {  	s0 =	sor.u32 s3, s0;
	s1 =	sshll.u32 s1, $0x11  }
0xc3: {  	s0 =	sor.u32 s1, s0  }
0xc4: {  	s0 =	sadd.s32 $0x8F2B, s0  }
0xc5: {  	[sflag:s0] =	ssyncadd.remote.s32 $0x1  }
0xc6: {  	_ =	sfence.sel $0xFFFF  }
0xc7: {  	[dreg:$0x0] =	wrdreg $0xFFFFFFFF;
	(pc) =	sbr.abs _section_cstart, $3  }
0xc8: {  	[dreg:$0x1] =	wrdreg $0xFFFFFFFF  }
0xc9: {  	_ =	task.clear_ibuf [dreg:s8], $0x2FFFF;
	_ =	strace $0x9FFFFFFF  }
0xca: {  	(tm) =	ssettm $0x7FFFFFFF  }
0xcb: {  	_ =	shalt  }
tec
execute0_lowered:
.L_overlay_start_1:
0x0: {  	(tag) =	ssettag $0x1  }
0x1: {  	s6 =	rddreg [dreg:$0x0]  }
0x2: {  	s1 =	rddreg [dreg:$0x1]  }
0x3: {  	s2 =	srdreg.scid;
	s0 =	stileid.u32  }
0x4: {  	s10 =	rddreg [dreg:$0x2];
	s5 =	smul.u32 $0x4E20, s0  }
0x5: {  	s3 =	rddreg [dreg:$0x3];
	s4 =	simm.s32 $0x0;
	s9 =	smul.u32 $0x1400, s0  }
0x6: {  	s15 =	simm.s32 $0x1;
	s7 =	sand.u32 $0x1, s2;
	s26 =	smul.u32 $0x28000, s0  }
0x7: {  	s16 =	simm.s32 $0x0;
	s2 =	rddreg [dreg:$0x4];
	s8 =	smul.u32 $0x2710, s7  }
0x8: {  	[smem:$0x7FF] =	sst s4;
	s11 =	smul.u32 $0x14000, s7;
	s7 =	ssub.s32 $0x2, s7  }
0x9: {  	s31 =	sshll.u32 s0, $0x6;
	_ =	strace $0x8000004D;
	s29 =	sshrl.u32 s7, $0x1  }
0xa: {  	s30 =	sshrl.u32 s26, $0x2;
	s8 =	sadd.s32 s8, s5;
	s5 =	sadd.s32 $0x33000, s6  }
0xb: {  	s25 =	sadd.s32 s9, s11;
	s13 =	ssub.s32 s7, s29;
	s14 =	sadd.s32 s30, s3  }
0xc: {  	s12 =	sshrl.u32 s8, $0x3;
	s8 =	sadd.s32 s25, s6;
	s11 =	sshrl.u32 s14, $0x3  }
0xd: {  	s14 =	simm.s32 $0xA0;
	s28 =	sadd.s32 s12, s6;
	s6 =	sor.u32 $0x1C02, s31  }
0xe: {  	s7 =	sadd.s32 $0x34400, s8;
	s8 =	smax.u32 s13, $0x1;
	s10 =	sadd.s32 s12, s10  }
0xf: {  	s12 =	simm.s32 $0x2;
	s13 =	simm.s32 $0x50;
	s9 =	sadd.s32 $0x2000, s28  }
.LBB2_1:
0x10: {  	[spmem:s11], [sflag:s6] =	dma.local [hbm:s5], $0x1400  }
0x11: {  	_ =	swait.ge [sflag:s12], $0x1400  }
0x12: {  	[sflag:s12] =	ssyncset.done $0x0  }
0x13: {  	[sflag:s12] =	ssyncadd.s32 $0xFFFFEC00  }
0x14: {  	s17 =	sadd.s32 $0x0, s10;
	[bflag:$0x0] =	sbarrier.arrive $0xFFFF  }
0x15: {  	[tilespmem:s4], [sflag:$0x2] =	stream.linear.gather [hbm4b:s17+s4], $0x50, $0x38;
	[tilespmem:$0xB4A0] =	vst v63  }
0x16: {  	_ =	swait.ge [sflag:s12], $0x50  }
0x17: {  	[sflag:s12] =	ssyncset.done $0x0  }
0x18: {  	s31 =	sadd.s32 $0x0, s9;
	[sflag:s12] =	ssyncadd.s32 $0xFFFFFFB0  }
0x19: {  	[tilespmem:s13], [sflag:$0x2] =	stream.linear.gather [hbm4b:s31+s4], $0x50, $0x38;
	[tilespmem:$0xB4A0] =	vst v63  }
0x1a: {  	_ =	swait.ge [sflag:s12], $0x50  }
0x1b: {  	[sflag:s12] =	ssyncset.done $0x0  }
0x1c: {  	[sflag:s12] =	ssyncadd.s32 $0xFFFFFFB0  }
0x1d: {  	[tilespmem:s14], [sflag:$0x1] =	stream.indirect.gather [hbm4b:s1+s13], $0x40, s4, s13, $0xb8;
	[tilespmem:$0xB4A0] =	vst v63  }
0x1e: {  	_ =	swait.ge [sflag:s15], $0x1400  }
0x1f: {  	[sflag:s15] =	ssyncset.done $0x0  }
0x20: {  	[sflag:s15] =	ssyncadd.s32 $0xFFFFEC00  }
0x21: {  	[spmem:s3] =	stream.indirect.scatter.add.f32 [tilespmem:s14], [sflag:$0x2], $0x40, s13, s13, $0xb8;
	[tilespmem:$0xB4A0] =	vst v63  }
0x22: {  	_ =	swait.ge [sflag:s12], $0x1400  }
0x23: {  	s18 =	simm.s32 $0x14;
	s17 =	simm.s32 $0xA;
	[sflag:s12] =	ssyncset.done $0x0  }
.LBB2_2:
0x24: {  	s19 =	sadd.s32 s17, s10  }
0x25: {  	[sflag:s12] =	ssyncadd.s32 $0xFFFFEC00;
	s20 =	smov.u32 s18;
	s21 =	sadd.s32 $0xA, s18  }
0x26: {  	[tilespmem:s4], [sflag:$0x2] =	stream.linear.gather [hbm4b:s19+s4], $0x50, $0x38;
	[tilespmem:$0xB4A0] =	vst v63  }
0x27: {  	p0 =	sne.s32 s18, $0x4D8;
	_ =	swait.ge [sflag:s12], $0x50  }
0x28: {  	[sflag:s12] =	ssyncset.done $0x0  }
0x29: {  	s18 =	sadd.s32 s17, s9;
	s17 =	smov.u32 s20;
	[sflag:s12] =	ssyncadd.s32 $0xFFFFFFB0  }
0x2a: {  	[tilespmem:s13], [sflag:$0x2] =	stream.linear.gather [hbm4b:s18+s4], $0x50, $0x38;
	[tilespmem:$0xB4A0] =	vst v63  }
0x2b: {  	_ =	swait.ge [sflag:s12], $0x50  }
0x2c: {  	[sflag:s12] =	ssyncset.done $0x0  }
0x2d: {  	[sflag:s12] =	ssyncadd.s32 $0xFFFFFFB0  }
0x2e: {  	[tilespmem:s14], [sflag:$0x1] =	stream.indirect.gather [hbm4b:s1+s13], $0x40, s4, s13, $0xb8;
	[tilespmem:$0xB4A0] =	vst v63  }
0x2f: {  	_ =	swait.ge [sflag:s15], $0x1400  }
.Ltmp0:
0x30: {  	[sflag:s15] =	ssyncset.done $0x0;
	(pc) =	sbr.rel @p0 .LBB2_2-.Ltmp0, $4  }
0x31: {  	[sflag:s15] =	ssyncadd.s32 $0xFFFFEC00  }
0x32: {  	[spmem:s3] =	stream.indirect.scatter.add.f32 [tilespmem:s14], [sflag:$0x2], $0x40, s13, s13, $0xb8;
	[tilespmem:$0xB4A0] =	vst v63  }
0x33: {  	_ =	swait.ge [sflag:s12], $0x1400  }
0x34: {  	s18 =	smov.u32 s21;
	[sflag:s12] =	ssyncset.done $0x0  }
0x35: {  	s18 =	sadd.s32 s17, s10;
	[sflag:s12] =	ssyncadd.s32 $0xFFFFEC00  }
0x36: {  	[tilespmem:s4], [sflag:$0x2] =	stream.linear.gather [hbm4b:s18+s4], $0x50, $0x38;
	[tilespmem:$0xB4A0] =	vst v63  }
0x37: {  	_ =	swait.ge [sflag:s12], $0x50  }
0x38: {  	[sflag:s12] =	ssyncset.done $0x0  }
0x39: {  	s31 =	sadd.s32 s17, s9;
	[sflag:s12] =	ssyncadd.s32 $0xFFFFFFB0  }
0x3a: {  	[tilespmem:s13], [sflag:$0x2] =	stream.linear.gather [hbm4b:s31+s4], $0x50, $0x38;
	[tilespmem:$0xB4A0] =	vst v63  }
0x3b: {  	_ =	swait.ge [sflag:s12], $0x50  }
0x3c: {  	[sflag:s12] =	ssyncset.done $0x0  }
0x3d: {  	[sflag:s12] =	ssyncadd.s32 $0xFFFFFFB0  }
0x3e: {  	[tilespmem:s14], [sflag:$0x1] =	stream.indirect.gather [hbm4b:s1+s13], $0x40, s4, s13, $0xb8;
	[tilespmem:$0xB4A0] =	vst v63  }
0x3f: {  	_ =	swait.ge [sflag:s15], $0x1400  }
0x40: {  	[sflag:s15] =	ssyncset.done $0x0  }
0x41: {  	[sflag:s15] =	ssyncadd.s32 $0xFFFFEC00  }
0x42: {  	[spmem:s3] =	stream.indirect.scatter.add.f32 [tilespmem:s14], [sflag:$0x2], $0x40, s13, s13, $0xb8;
	[tilespmem:$0xB4A0] =	vst v63  }
0x43: {  	_ =	swait.ge [sflag:s12], $0x1400  }
0x44: {  	s16 =	sadd.s32 $0x1, s16;
	[sflag:s12] =	ssyncset.done $0x0  }
0x45: {  	p0 =	sne.s32 s16, s8;
	[sflag:s12] =	ssyncadd.s32 $0xFFFFEC00  }
.Ltmp1:
0x46: {  	[bflag:$0x0] =	sbarrier.arrive $0xFFFF;
	(pc) =	sbr.rel @p0 .LBB2_1-.Ltmp1, $4  }
0x47: {  	[hbm:s7], [sflag:s6] =	dma.local [spmem:s11], $0x1400  }
0x48: {  	_ =	swait.ge [sflag:s12], $0x1400  }
0x49: {  	[sflag:s12] =	ssyncset.done $0x0  }
0x4a: {  	[sflag:s12] =	ssyncadd.s32 $0xFFFFEC00  }
0x4b: {  	_ =	sfence.sel $0x180000  }
0x4c: {  	[bflag:$0x0] =	sbarrier.arrive $0xFFFF  }
0x4d: {  	p0 =	sne.s32 s0, $0x0;
	_ =	strace $0x9000004D  }
0x4e: {  	s0 =	sadd.s32 @!p0 $0x100000, s2;
	[bflag:$0x2] =	sbarrier.arrive $0xFFFF  }
0x4f: {  	[sflag:s0] =	ssyncadd.tile.s32 @!p0 $0x1;
	_ =	shalt  }
.Lfunc_end2:
_tile_overlayer_lowered:
.L_overlay_start_2:
0x50: {  	(tag) =	ssettag $0x2  }
0x51: {  	s0 =	rddreg [dreg:$0x0];
	s2 =	stileid.u32  }
0x52: {  	s1 =	rddreg [dreg:$0x1];
	p0 =	sne.s32 s2, $0x0  }
0x53: {  	s3 =	rddreg [dreg:$0x2];
	[bflag:$0x3] =	sbarrier.arrive $0xFFFF;
	s2 =	simm.s32 @!p0 $0x1C02  }
0x54: {  	[timem:s3], [sflag:s2] =	dma.local @!p0 [hbm:s0], s1  }
0x55: {  	s0 =	simm.s32 @!p0 $0x2  }
0x56: {  	_ =	swait.ge @!p0 [sflag:s0], s1  }
0x57: {  	s1 =	ssub.s32 @!p0 $0x0, s1;
	[sflag:s0] =	ssyncset.done @!p0 $0x0  }
0x58: {  	[sflag:s0] =	ssyncadd.s32 @!p0 s1  }
0x59: {  	[bflag:$0x3] =	sbarrier.arrive $0xFFFF  }
0x5a: {  	_ =	shalt  }

// kernel: kernel.8.cloned.1.call-start
scs
__scs_entry_jumppad:
0x0: {  	(pc) =	sbr.rel $0x88, $3  }
0x1: {  	(tag) =	ssettag $0x0;
	lr =	simm.s32 $0x1  }
0x2: {  	[smem:$0x3F9B] =	sst lr;
	_ =	strace $0xD0000000  }
0x3: {  	_ = 	snop  }
0x4: {  	_ = 	snop  }
0x5: {  	_ = 	snop  }
0x6: {  	_ = 	snop  }
0x7: {  	_ = 	snop  }
__scs_overlays_trampoline_lowered:
0x8: {  	[smem:$0x3FAA] =	sst s0  }
0x9: {  	[smem:$0x3FAB] =	sst s1  }
0xa: {  	[smem:$0x3FAC] =	sst s2  }
0xb: {  	[smem:$0x3FAD] =	sst s3  }
0xc: {  	[smem:$0x3FAE] =	sst s4  }
0xd: {  	[smem:$0x3FAF] =	sst s5  }
0xe: {  	[smem:$0x3FB0] =	sst s6  }
0xf: {  	[smem:$0x3FB1] =	sst s7  }
0x10: {  	[smem:$0x3FB2] =	sst s8  }
0x11: {  	[smem:$0x3FB3] =	sst s9;
	s0 =	simm.s32 @!p0 $0x0  }
0x12: {  	s1 =	sld [smem:$0x3F99];
	s0 =	simm.s32 @p0 $0x1  }
0x13: {  	[smem:$0x3FB4] =	sst s0;
	s0 =	simm.s32 @!p1 $0x0  }
0x14: {  	s2 =	sld [smem:$0x3F98];
	s0 =	simm.s32 @p1 $0x1  }
0x15: {  	[smem:$0x3FB5] =	sst s0;
	s0 =	simm.s32 @!p2 $0x0  }
0x16: {  	s3 =	sld [smem:$0x3FDB];
	s0 =	simm.s32 @p2 $0x1  }
0x17: {  	s4 =	simm.s32 $0x1BF5;
	[smem:$0x3FB7] =	sst s0  }
0x18: {  	s0 =	sld [smem:$0x3F9A];
	_ =	swait.ge [sflag:s4], $0x0  }
0x19: {  	s7 =	sld [smem:$0x3F9B]  }
0x1a: {  	s8 =	sadd.s32 $0xFFFFE003, lr  }
0x1b: {  	s9 =	sadd.s32 $0xFFFFFEF7, lr;
	s5 =	simm.s32 $0xFFFFFFFF;
	p2 =	slt.u32 s8, $0xFFFFF086  }
0x1c: {  	p1 =	slt.u32 s9, $0xF7A;
	s5 =	simm.s32 @!p2 $0x0  }
0x1d: {  	s5 =	simm.s32 @p1 $0x1;
	p0 =	seq.s32 s7, s2  }
0x1e: {  	s7 =	smul.u32 @!p0 $0xF7A, s2;
	p2 =	seq.s32 @!p0 s5, $0x0  }
0x1f: {  	s9 =	smul.u32 $0xF7A, s1;
	s8 =	simm.s32 @!p0 $0x1BF5;
	p2 =	por !p2, p0  }
0x20: {  	[sflag:s8] =	ssyncset.s32 @!p0 $0xFFFFF086;
	s6 =	sadd.s32 @!p0 s3, s7;
	s7 =	simm.s32 @!p0 $0x108  }
0x21: {  	s3 =	sadd.s32 s3, s9;
	s6 =	sadd.s32 @!p0 $0x88, s6;
	s7 =	simm.s32 @p2 $0x1082  }
0x22: {  	[simem:s7], [sflag:s8] =	dma.local @!p0 [hbm:s6], $0xF7A  }
0x23: {  	s9 =	sor.u32 $0xD0000000, s2;
	s6 =	simm.s32 $0x108;
	_ =	swait.ge @!p0 [sflag:s8], $0x0  }
0x24: {  	s3 =	sadd.s32 $0x88, s3;
	s6 =	simm.s32 @!p1 $0x1082;
	[sflag:s4] =	ssyncset.s32 $0xFFFFF086  }
0x25: {  	[simem:s6], [sflag:s4] =	dma.local [hbm:s3], $0xF7A  }
0x26: {  	[smem:$0x3F9B] =	sst s1;
	(tag) =	ssettag s2;
	_ =	strace s9  }
0x27: {  	s1 =	sld [smem:$0x3FAB]  }
0x28: {  	s2 =	sld [smem:$0x3FAC]  }
0x29: {  	s4 =	sld [smem:$0x3FAE]  }
0x2a: {  	p0 =	seq.s32 s5, $0x0;
	s5 =	sld [smem:$0x3FAF]  }
0x2b: {  	s6 =	sld [smem:$0x3FB0]  }
0x2c: {  	s7 =	sld [smem:$0x3FB1]  }
0x2d: {  	s3 =	simm.s32 $0x108;
	s8 =	sld [smem:$0x3FB2]  }
0x2e: {  	s3 =	simm.s32 @!p0 $0x1082;
	s9 =	sld [smem:$0x3FB3]  }
0x2f: {  	lr =	sadd.s32 s0, s3;
	s0 =	sld [smem:$0x3FAA]  }
0x30: {  	s3 =	sld [smem:$0x3FAD]  }
0x31: {  	[smem:$0x3FB6] =	sst s10  }
0x32: {  	s10 =	sld [smem:$0x3FB4];
	_ =	sdelay $0x3  }
0x33: {  	p0 =	seq.s32 s10, $0x1;
	s10 =	sld [smem:$0x3FB6];
	_ =	sdelay $0x3  }
0x34: {  	[smem:$0x3FB6] =	sst s10  }
0x35: {  	s10 =	sld [smem:$0x3FB5];
	_ =	sdelay $0x3  }
0x36: {  	p1 =	seq.s32 s10, $0x1;
	s10 =	sld [smem:$0x3FB6];
	_ =	sdelay $0x3  }
0x37: {  	[smem:$0x3FB6] =	sst s10  }
0x38: {  	s10 =	sld [smem:$0x3FB7]  }
0x39: {  	_ = 	snop;
	(pc) =	sbr.ind lr, $3  }
0x3a: {  	_ = 	snop  }
0x3b: {  	_ = 	snop  }
0x3c: {  	p2 =	seq.s32 s10, $0x1;
	s10 =	sld [smem:$0x3FB6]  }
0x3d: {  	_ =	shalt  }
0x3e: {  	_ =	shalt  }
0x3f: {  	_ =	shalt  }
0x40: {  	_ =	shalt  }
0x41: {  	_ =	shalt  }
0x42: {  	_ =	shalt  }
0x43: {  	_ =	shalt  }
0x44: {  	_ =	shalt  }
0x45: {  	_ =	shalt  }
0x46: {  	_ =	shalt  }
0x47: {  	_ =	shalt  }
0x48: {  	_ =	shalt  }
0x49: {  	_ =	shalt  }
0x4a: {  	_ =	shalt  }
0x4b: {  	_ =	shalt  }
0x4c: {  	_ =	shalt  }
0x4d: {  	_ =	shalt  }
0x4e: {  	_ =	shalt  }
0x4f: {  	_ =	shalt  }
0x50: {  	_ =	shalt  }
0x51: {  	_ =	shalt  }
0x52: {  	_ =	shalt  }
0x53: {  	_ =	shalt  }
0x54: {  	_ =	shalt  }
0x55: {  	_ =	shalt  }
0x56: {  	_ =	shalt  }
0x57: {  	_ =	shalt  }
0x58: {  	_ =	shalt  }
0x59: {  	_ =	shalt  }
0x5a: {  	_ =	shalt  }
0x5b: {  	_ =	shalt  }
0x5c: {  	_ =	shalt  }
0x5d: {  	_ =	shalt  }
0x5e: {  	_ =	shalt  }
0x5f: {  	_ =	shalt  }
0x60: {  	_ =	shalt  }
0x61: {  	_ =	shalt  }
0x62: {  	_ =	shalt  }
0x63: {  	_ =	shalt  }
0x64: {  	_ =	shalt  }
0x65: {  	_ =	shalt  }
0x66: {  	_ =	shalt  }
0x67: {  	_ =	shalt  }
0x68: {  	_ =	shalt  }
0x69: {  	_ =	shalt  }
0x6a: {  	_ =	shalt  }
0x6b: {  	_ =	shalt  }
0x6c: {  	_ =	shalt  }
0x6d: {  	_ =	shalt  }
0x6e: {  	_ =	shalt  }
0x6f: {  	_ =	shalt  }
0x70: {  	_ =	shalt  }
0x71: {  	_ =	shalt  }
0x72: {  	_ =	shalt  }
0x73: {  	_ =	shalt  }
0x74: {  	_ =	shalt  }
0x75: {  	_ =	shalt  }
0x76: {  	_ =	shalt  }
0x77: {  	_ =	shalt  }
0x78: {  	_ =	shalt  }
0x79: {  	_ =	shalt  }
0x7a: {  	_ =	shalt  }
0x7b: {  	_ =	shalt  }
0x7c: {  	_ =	shalt  }
0x7d: {  	_ =	shalt  }
0x7e: {  	_ =	shalt  }
0x7f: {  	_ =	shalt  }
0x80: {  	_ =	shalt  }
0x81: {  	_ =	shalt  }
0x82: {  	_ =	shalt  }
0x83: {  	_ =	shalt  }
0x84: {  	_ =	shalt  }
0x85: {  	_ =	shalt  }
0x86: {  	_ =	shalt  }
0x87: {  	_ =	shalt  }
.Lfunc_end0:
.L_simem_size_0:
called_computation_lowered:
.L_overlay_start_0:
0x88: {  	s2 =	sld [smem:$0x3FD9]  }
0x89: {  	s3 =	sld [smem:$0x3FFE];
	_ =	sdelay $0x1  }
0x8a: {  	s1 =	srdreg.scid  }
0x8b: {  	s0 =	sand.u32 $0x1, s1  }
0x8c: {  	s14 =	sshll.u32 s0, $0xA;
	s2 =	sadd.s32 s3, s2  }
0x8d: {  	s2 =	sadd.s32 s2, s14  }
0x8e: {  	[smem:$0x3FC2] =	sst s2  }
0x8f: {  	_ = 	snop  }
0x90: {  	s2 =	sld [smem:$0x3FD0];
	_ =	sdelay $0x2  }
0x91: {  	s15 =	simm.s32 $0xA;
	s4 =	simm.s32 $0x10  }
0x92: {  	[smem:s4], [sflag:s15] =	dma.local [hbm:s2], $0x1  }
0x93: {  	_ =	swait.eq [sflag:s15], $0x1  }
0x94: {  	[sflag:s15] =	ssyncset.done $0x0  }
0x95: {  	[sflag:s15] =	ssyncadd.s32 $0xFFFFFFFF  }
0x96: {  	s16 =	sld [smem:$0x11];
	(tm) =	ssettm $0x1  }
0x97: {  	s17 =	sld [smem:$0x3FFB];
	_ =	sdelay $0x3  }
0x98: {  	_ =	strace s17  }
0x99: {  	s3 =	sld [smem:$0x3FFC];
	_ =	sdelay $0x3  }
0x9a: {  	_ =	strace s3  }
0x9b: {  	s3 =	sld [smem:$0x3FFD];
	_ =	sdelay $0x3  }
0x9c: {  	_ =	strace s3  }
0x9d: {  	_ =	strace $0x8FFFFFFF  }
0x9e: {  	s18 =	sld [smem:$0x3FDB];
	_ =	sdelay $0x1  }
0x9f: {  	s19 =	simm.s32 $_scs_section_size  }
0xa0: {  	s5 =	simm.s32 $_size__tile_overlayer_lowered;
	s6 =	simm.s32 $_tile_overlayer_lowered  }
0xa1: {  	s22 =	simm.s32 $0x1BFF;
	s21 =	sshll.u32 s6, $0x1;
	s3 =	sadd.s32 s19, s18  }
0xa2: {  	s7 =	simm.s32 $0x0;
	s20 =	sshll.u32 s5, $0x1;
	s5 =	sadd.s32 s21, s3  }
0xa3: {  	[timem:s7], [sflag:s22] =	dma.local [hbm:s5], s20  }
0xa4: {  	_ =	swait.ge [sflag:s22], s20  }
0xa5: {  	s4 =	ssub.s32 $0x0, s20;
	[sflag:s22] =	ssyncset.done $0x0  }
0xa6: {  	[sflag:s22] =	ssyncadd.s32 s4;
	_ =	sdelay $0x1  }
0xa7: {  	s23 =	simm.s32 $0x1B8B  }
0xa8: {  	_ =	swait.ge [sflag:s23], $0x1  }
0xa9: {  	[sflag:s23] =	ssyncset.done $0x0  }
0xaa: {  	s25 =	simm.s32 $0x1B8E;
	s24 =	sld [smem:$0x3FFE];
	[sflag:s23] =	ssyncadd.s32 $0xFFFFFFFF  }
0xab: {  	s26 =	simm.s32 $execute0_lowered;
	[smem:$0x3FD2] =	sst s25  }
0xac: {  	s5 =	sshll.u32 s26, $0x1;
	_ =	strace $0x80000046;
	[dreg:$0x1] =	wrdreg $0xFFFFFFFF  }
0xad: {  	s28 =	simm.s32 $_size_execute0_lowered;
	s3 =	sadd.s32 s3, s5;
	[dreg:$0x0] =	wrdreg $0x0  }
0xae: {  	s5 =	sshll.u32 s28, $0x1;
	[dreg:$0x2] =	wrdreg s3  }
0xaf: {  	[dreg:$0x3] =	wrdreg s5  }
0xb0: {  	[dreg:$0x4] =	wrdreg $0xC0  }
0xb1: {  	_ =	task [dreg:s7], $0x5FFFF  }
0xb2: {  	[dreg:$0x1] =	wrdreg $0xFFFFFFFF  }
0xb3: {  	[dreg:$0x0] =	wrdreg $0x60  }
0xb4: {  	[dreg:$0x2] =	wrdreg s24  }
0xb5: {  	[dreg:$0x3] =	wrdreg s16  }
0xb6: {  	[dreg:$0x4] =	wrdreg $0x3800  }
0xb7: {  	[dreg:$0x5] =	wrdreg $0x9  }
0xb8: {  	_ =	task.clear_ibuf [dreg:s7], $0x6FFFF;
	_ =	strace $0x90000046  }
0xb9: {  	s29 =	simm.s32 $0x9;
	_ =	strace $0x80000048  }
0xba: {  	_ =	swait.ge [sflag:s29], $0x1  }
0xbb: {  	[sflag:s29] =	ssyncadd.s32 $0xFFFFFFFF  }
0xbc: {  	_ =	strace $0x90000048  }
0xbd: {  	_ =	sfence  }
0xbe: {  	s30 =	sld [smem:$0x0];
	_ =	sdelay $0x2  }
0xbf: {  	s31 =	sshll.u32 s1, $0xD;
	s1 =	sshrl.u32 s1, $0x2  }
0xc0: {  	s3 =	sand.u32 $0x4000, s31;
	s1 =	sadd.s32 s1, s30  }
0xc1: {  	s0 =	sor.u32 s3, s0;
	s1 =	sshll.u32 s1, $0x11  }
0xc2: {  	s0 =	sor.u32 s1, s0  }
0xc3: {  	s0 =	sadd.s32 $0x8F2B, s0  }
0xc4: {  	[sflag:s0] =	ssyncadd.remote.s32 $0x1  }
0xc5: {  	_ =	sfence.sel $0xFFFF  }
0xc6: {  	[dreg:$0x0] =	wrdreg $0xFFFFFFFF;
	(pc) =	sbr.abs _section_cstart, $3  }
0xc7: {  	[dreg:$0x1] =	wrdreg $0xFFFFFFFF  }
0xc8: {  	_ =	task.clear_ibuf [dreg:s7], $0x2FFFF;
	_ =	strace $0x9FFFFFFF  }
0xc9: {  	(tm) =	ssettm $0x7FFFFFFF  }
tec
execute0_lowered:
.L_overlay_start_1:
0x0: {  	(tag) =	ssettag $0x1  }
0x1: {  	s4 =	rddreg [dreg:$0x0];
	s1 =	srdreg.scid  }
0x2: {  	s0 =	stileid.u32;
	s5 =	rddreg [dreg:$0x1]  }
0x3: {  	s2 =	rddreg [dreg:$0x2];
	s3 =	simm.s32 $0x0;
	s7 =	smul.u32 $0x4E20, s0  }
0x4: {  	s11 =	simm.s32 $0x80;
	s6 =	sand.u32 $0x1, s1;
	s9 =	smul.u32 $0x280, s0  }
0x5: {  	s14 =	simm.s32 $0x0;
	s1 =	rddreg [dreg:$0x3];
	s8 =	smul.u32 $0x2710, s6  }
0x6: {  	[smem:$0x7FF] =	sst s3;
	s12 =	sshll.u32 s0, $0x6;
	s10 =	smul.u32 $0x2800, s6  }
0x7: {  	_ =	strace $0x80000047;
	s6 =	ssub.s32 $0x2, s6;
	s12 =	sor.u32 $0x1C01, s12  }
0x8: {  	s30 =	sshrl.u32 s6, $0x1;
	s7 =	sadd.s32 s8, s7;
	s10 =	sadd.s32 s9, s10  }
0x9: {  	s6 =	ssub.s32 s6, s30;
	s8 =	simm.s32 $0x100;
	s7 =	sshrl.u32 s7, $0x3  }
0xa: {  	s31 =	sshrl.u32 s10, $0x3;
	s6 =	smax.u32 s6, $0x1;
	s10 =	simm.s32 $0x50  }
0xb: {  	s7 =	sadd.s32 s7, s4;
	s4 =	sadd.s32 s9, s2;
	s5 =	sadd.s32 s5, s31  }
0xc: {  	v0 =	vimm.f32 $1.000000000e+00;
	v1 =	vimm.f32 $0.0e+00;
	s9 =	simm.s32 $0x1;
	s7 =	sadd.s32 $0x2000, s7;
	s13 =	sshrl.u32 s4, $0x3  }
.LBB2_1:
0xd: {  	[tilespmem:$0x80] =	vst v0  }
0xe: {  	[tilespmem:$0x90] =	vst v0  }
0xf: {  	[tilespmem:$0xA0] =	vst v0  }
0x10: {  	[tilespmem:$0xB0] =	vst v0  }
0x11: {  	[tilespmem:$0xC0] =	vst v0  }
0x12: {  	[tilespmem:$0x100] =	vst v1  }
0x13: {  	[tilespmem:$0x110] =	vst v1  }
0x14: {  	[tilespmem:$0x120] =	vst v1  }
0x15: {  	[tilespmem:$0x130] =	vst v1  }
0x16: {  	[tilespmem:$0x140] =	vst v1  }
0x17: {  	[tilespmem:$0x150] =	vst v1  }
0x18: {  	[tilespmem:$0x160] =	vst v1  }
0x19: {  	[tilespmem:$0x170] =	vst v1  }
0x1a: {  	[tilespmem:$0x180] =	vst v1  }
0x1b: {  	[tilespmem:$0x190] =	vst v1  }
0x1c: {  	[tilespmem:$0x1A0] =	vst v1  }
0x1d: {  	[tilespmem:$0x1B0] =	vst v1  }
0x1e: {  	[tilespmem:$0x1C0] =	vst v1  }
0x1f: {  	[tilespmem:$0x1D0] =	vst v1  }
0x20: {  	[tilespmem:$0x1E0] =	vst v1  }
0x21: {  	[tilespmem:$0x1F0] =	vst v1  }
0x22: {  	[tilespmem:$0x200] =	vst v1  }
0x23: {  	[tilespmem:$0x210] =	vst v1  }
0x24: {  	[tilespmem:$0x220] =	vst v1  }
0x25: {  	[tilespmem:$0x230] =	vst v1  }
0x26: {  	[tilespmem:$0x240] =	vst v1  }
0x27: {  	[tilespmem:$0x250] =	vst v1  }
0x28: {  	[tilespmem:$0x260] =	vst v1  }
0x29: {  	[tilespmem:$0x270] =	vst v1  }
0x2a: {  	[tilespmem:$0x280] =	vst v1  }
0x2b: {  	[tilespmem:$0x290] =	vst v1  }
0x2c: {  	[tilespmem:$0x2A0] =	vst v1  }
0x2d: {  	[tilespmem:$0x2B0] =	vst v1  }
0x2e: {  	[tilespmem:$0x2C0] =	vst v1  }
0x2f: {  	[tilespmem:$0x2D0] =	vst v1  }
0x30: {  	[tilespmem:$0x2E0] =	vst v1  }
0x31: {  	[tilespmem:$0x2F0] =	vst v1  }
0x32: {  	[tilespmem:$0x300] =	vst v1  }
0x33: {  	[tilespmem:$0x310] =	vst v1  }
0x34: {  	[tilespmem:$0x320] =	vst v1  }
0x35: {  	[tilespmem:$0x330] =	vst v1  }
0x36: {  	[tilespmem:$0x340] =	vst v1  }
0x37: {  	[tilespmem:$0x350] =	vst v1  }
0x38: {  	[tilespmem:$0x360] =	vst v1  }
0x39: {  	[tilespmem:$0x370] =	vst v1  }
0x3a: {  	[spmem:s4] =	stream.linear.scatter [tilespmem:s8], [sflag:$0x1], $0x280, $0x38;
	[tilespmem:$0x600] =	vst v63  }
0x3b: {  	_ =	swait.ge [sflag:s9], $0x280  }
0x3c: {  	[sflag:s9] =	ssyncset.done $0x0  }
0x3d: {  	[sflag:s9] =	ssyncadd.s32 $0xFFFFFD80  }
0x3e: {  	s15 =	sadd.s32 $0x0, s7;
	[bflag:$0x0] =	sbarrier.arrive $0xFFFF  }
0x3f: {  	[tilespmem:s3], [sflag:$0x1] =	stream.linear.gather [hbm4b:s15+s3], $0x50, $0x38;
	[tilespmem:$0x600] =	vst v63  }
0x40: {  	_ =	swait.ge [sflag:s9], $0x50  }
0x41: {  	[sflag:s9] =	ssyncset.done $0x0  }
0x42: {  	[sflag:s9] =	ssyncadd.s32 $0xFFFFFFB0  }
0x43: {  	[spmem:s2] =	stream.indirect.scatter.add.f32 [tilespmem:s11], [sflag:$0x1], $0x1, s3, s10, $0xb8;
	[tilespmem:$0x600] =	vst v63  }
0x44: {  	_ =	swait.ge [sflag:s9], $0x50  }
0x45: {  	s16 =	simm.s32 $0x14;
	s15 =	simm.s32 $0xA;
	[sflag:s9] =	ssyncset.done $0x0  }
.LBB2_2:
0x46: {  	s17 =	sadd.s32 s15, s7  }
0x47: {  	[sflag:s9] =	ssyncadd.s32 $0xFFFFFFB0;
	s15 =	smov.u32 s16;
	s18 =	sadd.s32 $0xA, s16  }
0x48: {  	[tilespmem:s3], [sflag:$0x1] =	stream.linear.gather [hbm4b:s17+s3], $0x50, $0x38;
	[tilespmem:$0x600] =	vst v63  }
0x49: {  	p0 =	sne.s32 s16, $0x4D8;
	_ =	swait.ge [sflag:s9], $0x50  }
.Ltmp0:
0x4a: {  	[sflag:s9] =	ssyncset.done $0x0;
	(pc) =	sbr.rel @p0 .LBB2_2-.Ltmp0, $4  }
0x4b: {  	[sflag:s9] =	ssyncadd.s32 $0xFFFFFFB0  }
0x4c: {  	[spmem:s2] =	stream.indirect.scatter.add.f32 [tilespmem:s11], [sflag:$0x1], $0x1, s3, s10, $0xb8;
	[tilespmem:$0x600] =	vst v63  }
0x4d: {  	_ =	swait.ge [sflag:s9], $0x50  }
0x4e: {  	s16 =	smov.u32 s18;
	[sflag:s9] =	ssyncset.done $0x0  }
0x4f: {  	s15 =	sadd.s32 s15, s7;
	[sflag:s9] =	ssyncadd.s32 $0xFFFFFFB0  }
0x50: {  	[tilespmem:s3], [sflag:$0x1] =	stream.linear.gather [hbm4b:s15+s3], $0x50, $0x38;
	[tilespmem:$0x600] =	vst v63  }
0x51: {  	_ =	swait.ge [sflag:s9], $0x50  }
0x52: {  	[sflag:s9] =	ssyncset.done $0x0  }
0x53: {  	[sflag:s9] =	ssyncadd.s32 $0xFFFFFFB0  }
0x54: {  	[spmem:s2] =	stream.indirect.scatter.add.f32 [tilespmem:s11], [sflag:$0x1], $0x1, s3, s10, $0xb8;
	[tilespmem:$0x600] =	vst v63  }
0x55: {  	_ =	swait.ge [sflag:s9], $0x50  }
0x56: {  	s14 =	sadd.s32 $0x1, s14;
	[sflag:s9] =	ssyncset.done $0x0  }
0x57: {  	p0 =	sne.s32 s14, s6;
	[sflag:s9] =	ssyncadd.s32 $0xFFFFFFB0  }
.Ltmp1:
0x58: {  	[bflag:$0x0] =	sbarrier.arrive $0xFFFF;
	(pc) =	sbr.rel @p0 .LBB2_1-.Ltmp1, $4  }
0x59: {  	[hbm:s5], [sflag:s12] =	dma.local [spmem:s13], $0x50  }
0x5a: {  	_ =	swait.ge [sflag:s9], $0x50  }
0x5b: {  	[sflag:s9] =	ssyncset.done $0x0  }
0x5c: {  	[sflag:s9] =	ssyncadd.s32 $0xFFFFFFB0  }
0x5d: {  	_ =	sfence.sel $0x180000  }
0x5e: {  	[bflag:$0x0] =	sbarrier.arrive $0xFFFF  }
0x5f: {  	p0 =	sne.s32 s0, $0x0;
	_ =	strace $0x90000047  }
0x60: {  	s0 =	sadd.s32 @!p0 $0x100000, s1;
	[bflag:$0x2] =	sbarrier.arrive $0xFFFF  }
0x61: {  	[sflag:s0] =	ssyncadd.tile.s32 @!p0 $0x1;
	_ =	shalt  }
.Lfunc_end2:
_tile_overlayer_lowered:
.L_overlay_start_2:
0x62: {  	(tag) =	ssettag $0x2  }
0x63: {  	s0 =	rddreg [dreg:$0x0];
	s2 =	stileid.u32  }
0x64: {  	s1 =	rddreg [dreg:$0x1];
	p0 =	sne.s32 s2, $0x0  }
0x65: {  	s3 =	rddreg [dreg:$0x2];
	[bflag:$0x3] =	sbarrier.arrive $0xFFFF;
	s2 =	simm.s32 @!p0 $0x1C01  }
0x66: {  	[timem:s3], [sflag:s2] =	dma.local @!p0 [hbm:s0], s1  }
0x67: {  	s0 =	simm.s32 @!p0 $0x1  }
0x68: {  	_ =	swait.ge @!p0 [sflag:s0], s1  }
0x69: {  	s1 =	ssub.s32 @!p0 $0x0, s1;
	[sflag:s0] =	ssyncset.done @!p0 $0x0  }
0x6a: {  	[sflag:s0] =	ssyncadd.s32 @!p0 s1  }
0x6b: {  	[bflag:$0x3] =	sbarrier.arrive $0xFFFF  }
0x6c: {  	_ =	shalt  }

</sc_bundles>
